<compile_context>
chip_gen: v7x
topology: tpu7x:2x2x1
jax: 0.10.2.dev20260603
libtpu: 0.0.44.dev20260713+nightly
codegen_flags: <defaults>
</compile_context>

<pallas_src>
import jax
import jax.numpy as jnp
from jax import lax
from jax.experimental import pallas as pl
from jax.experimental.pallas import tpu as pltpu
from jax.experimental.pallas import tpu_sc as plsc

_N = 320000
_D = 128
_MAX_LEN = 240

_NUM_WORKERS = 32
_C = 80
_G1 = min(_C, 128)
_G2 = _C - _G1
_NBUF = 10
_PF = 5


def _fuse_table_kernel(emb_ref, w_ref, b_ref, out_ref):
    out_ref[:, :] = (
        lax.dot_general(
            emb_ref[:, :], w_ref[:, :],
            dimension_numbers=(((1,), (1,)), ((), ())),
            preferred_element_type=jnp.float32,
        )
        + b_ref[:, :]
    )


def _make_sc_body(rows_per_worker):
    niter = rows_per_worker // _C
    nfull = (niter // _NBUF) * _NBUF

    def _sc_body(x_hbm, t_hbm, tab_hbm, out_hbm, tab_sh, idx_v, *bufs):
        xb = bufs[0:_NBUF]
        x_sem = bufs[_NBUF:2 * _NBUF]
        g_sem = bufs[2 * _NBUF:3 * _NBUF]
        o_sem = bufs[3 * _NBUF:4 * _NBUF]

        wid = lax.axis_index("s") * 2 + lax.axis_index("c")
        row_base = wid * rows_per_worker

        pltpu.sync_copy(t_hbm.at[pl.ds(row_base, rows_per_worker)], idx_v)

        @pl.when(lax.axis_index("s") == 0)
        def _stage_table():
            pltpu.sync_copy(tab_hbm, tab_sh)

        plsc.subcore_barrier()

        def x_slice(c):
            return x_hbm.at[pl.ds(row_base + c * _C, _C), :]

        def out_slice(c):
            return out_hbm.at[pl.ds(row_base + c * _C, _C), :]

        def gadd(c, b):
            pltpu.async_copy(
                tab_sh.at[idx_v.at[pl.ds(c * _C, _G1)]],
                xb[b].at[pl.ds(0, _G1), :], g_sem[b], add=True,
            )
            if _G2:
                pltpu.async_copy(
                    tab_sh.at[idx_v.at[pl.ds(c * _C + _G1, _G2)]],
                    xb[b].at[pl.ds(_G1, _G2), :], g_sem[b], add=True,
                )

        def wait_gadd(c, b):
            pltpu.make_async_copy(
                tab_sh.at[idx_v.at[pl.ds(c * _C, _G1)]],
                xb[b].at[pl.ds(0, _G1), :], g_sem[b],
            ).wait()
            if _G2:
                pltpu.make_async_copy(
                    tab_sh.at[idx_v.at[pl.ds(c * _C + _G1, _G2)]],
                    xb[b].at[pl.ds(_G1, _G2), :], g_sem[b],
                ).wait()

        def chunk_body(c, bi, tail):
            bn = (bi + 1) % _NBUF
            pf = c + _PF
            bpf = (bi + _PF) % _NBUF

            if not tail:
                @pl.when(pf < niter)
                def _prefetch():
                    @pl.when(pf >= _NBUF)
                    def _drain():
                        pltpu.make_async_copy(
                            xb[bpf], out_slice(pf - _NBUF), o_sem[bpf]
                        ).wait()

                    pltpu.async_copy(x_slice(pf), xb[bpf], x_sem[bpf])

            if not (tail and c + 1 >= niter):
                @pl.when(c + 1 < niter)
                def _next_gadd():
                    pltpu.make_async_copy(
                        x_slice(c + 1), xb[bn], x_sem[bn]
                    ).wait()
                    gadd(c + 1, bn)

            wait_gadd(c, bi)
            pltpu.async_copy(xb[bi], out_slice(c), o_sem[bi])

        for i in range(_PF):
            pltpu.async_copy(x_slice(i), xb[i], x_sem[i])
        pltpu.make_async_copy(x_slice(0), xb[0], x_sem[0]).wait()
        gadd(0, 0)

        def outer(k, carry):
            for bi in range(_NBUF):
                chunk_body(k * _NBUF + bi, bi, tail=False)
            return carry

        lax.fori_loop(0, nfull // _NBUF, outer, 0, unroll=False)

        for c in range(nfull, niter):
            chunk_body(c, c % _NBUF, tail=True)

        for c_last in range(niter - _NBUF, niter):
            bi = c_last % _NBUF
            pltpu.make_async_copy(xb[bi], out_slice(c_last), o_sem[bi]).wait()

    return _sc_body


def _sc_lookup(x, t, fused_table):
    n = x.shape[0]
    rows_per_worker = n // _NUM_WORKERS
    mesh = plsc.VectorSubcoreMesh(core_axis_name="c", subcore_axis_name="s")
    scratch = (
        [pltpu.VMEM_SHARED((_MAX_LEN, _D), jnp.float32)]
        + [pltpu.VMEM((rows_per_worker,), jnp.int32)]
        + [pltpu.VMEM((_C, _D), jnp.float32) for _ in range(_NBUF)]
        + [pltpu.SemaphoreType.DMA for _ in range(3 * _NBUF)]
    )
    return pl.kernel(
        _make_sc_body(rows_per_worker),
        out_type=jax.ShapeDtypeStruct((n, _D), jnp.float32),
        mesh=mesh,
        scratch_types=scratch,
        compiler_params=pltpu.CompilerParams(needs_layout_passes=False),
    )(x, t, fused_table)


def kernel(x, t, emb_table, W, b):
    fused_table = pl.pallas_call(
        _fuse_table_kernel,
        out_shape=jax.ShapeDtypeStruct((_MAX_LEN, _D), jnp.float32),
    )(emb_table, W, b.reshape(1, _D))

    return _sc_lookup(x, t, fused_table)

# --- scband reference (transcript-rebuilt; emitter-appended) ---
"""Pipeline reference for scband-rel-temporal-encoding-16741782520629 (READ-ONLY COPY).

The authoritative reference and input builder live on the scoring server;
editing this copy changes nothing except your own understanding.
"""

import jax, jax.numpy as jnp
import numpy as np
import math

N = 320000
N_HID = 128
MAX_LEN = 240

def _make_emb_table():
    position = np.arange(0.0, MAX_LEN)[:, None]
    div_term = np.exp(np.arange(0, N_HID, 2) * -(math.log(10000.0) / N_HID))
    emb = np.zeros((MAX_LEN, N_HID), dtype=np.float32)
    emb[:, 0::2] = np.sin(position * div_term) / math.sqrt(N_HID)
    emb[:, 1::2] = np.cos(position * div_term) / math.sqrt(N_HID)
    return jnp.asarray(emb, dtype=jnp.float32)

def setup_inputs(seed: int = 0) -> dict:
    key = jax.random.key(seed)
    k1, k2, k3, k4 = jax.random.split(key, 4)
    x = jax.random.normal(k1, (N, N_HID), dtype=jnp.float32)
    t = jax.random.randint(k2, (N,), 0, MAX_LEN, dtype=jnp.int32)
    emb_table = _make_emb_table()
    bound = 1.0 / math.sqrt(N_HID)
    W = jax.random.uniform(k3, (N_HID, N_HID), dtype=jnp.float32, minval=-bound, maxval=bound)
    b = jax.random.uniform(k4, (N_HID,), dtype=jnp.float32, minval=-bound, maxval=bound)
    return {"x": x, "t": t, "emb_table": emb_table, "W": W, "b": b}

def reference(x, t, emb_table, W, b):
    # emb(t): embedding gather (SparseCore-friendly)
    e = jnp.take(emb_table, t, axis=0)
    # lin(emb(t)): y = e @ W^T + b  (torch nn.Linear convention)
    y = e @ W.T + b
    return x + y

if __name__ == "__main__":
    import jax
    _d = setup_inputs()
    print(jax.jit(kernel)(*tuple(_d.values())))

</pallas_src>

<mosaic_0001>
#map = affine_map<(d0, d1) -> (0, 0)>
#map1 = affine_map<(d0, d1) -> (0)>
module attributes {stable_mosaic.version = 14 : i64} {
  func.func @_sc_body(%arg0: i32, %arg1: i32, %arg2: memref<320000x128xf32, #tpu.memory_space<hbm>>, %arg3: memref<320000xi32, #tpu.memory_space<hbm>>, %arg4: memref<240x128xf32, #tpu.memory_space<hbm>>, %arg5: memref<320000x128xf32, #tpu.memory_space<hbm>>, %arg6: memref<240x128xf32, #tpu.memory_space<vmem_shared>>, %arg7: memref<10000xi32, #tpu.memory_space<vmem>>, %arg8: memref<80x128xf32, #tpu.memory_space<vmem>>, %arg9: memref<80x128xf32, #tpu.memory_space<vmem>>, %arg10: memref<80x128xf32, #tpu.memory_space<vmem>>, %arg11: memref<80x128xf32, #tpu.memory_space<vmem>>, %arg12: memref<80x128xf32, #tpu.memory_space<vmem>>, %arg13: memref<80x128xf32, #tpu.memory_space<vmem>>, %arg14: memref<80x128xf32, #tpu.memory_space<vmem>>, %arg15: memref<80x128xf32, #tpu.memory_space<vmem>>, %arg16: memref<80x128xf32, #tpu.memory_space<vmem>>, %arg17: memref<80x128xf32, #tpu.memory_space<vmem>>, %arg18: memref<!tpu.dma_semaphore, #tpu.memory_space<semaphore_mem>>, %arg19: memref<!tpu.dma_semaphore, #tpu.memory_space<semaphore_mem>>, %arg20: memref<!tpu.dma_semaphore, #tpu.memory_space<semaphore_mem>>, %arg21: memref<!tpu.dma_semaphore, #tpu.memory_space<semaphore_mem>>, %arg22: memref<!tpu.dma_semaphore, #tpu.memory_space<semaphore_mem>>, %arg23: memref<!tpu.dma_semaphore, #tpu.memory_space<semaphore_mem>>, %arg24: memref<!tpu.dma_semaphore, #tpu.memory_space<semaphore_mem>>, %arg25: memref<!tpu.dma_semaphore, #tpu.memory_space<semaphore_mem>>, %arg26: memref<!tpu.dma_semaphore, #tpu.memory_space<semaphore_mem>>, %arg27: memref<!tpu.dma_semaphore, #tpu.memory_space<semaphore_mem>>, %arg28: memref<!tpu.dma_semaphore, #tpu.memory_space<semaphore_mem>>, %arg29: memref<!tpu.dma_semaphore, #tpu.memory_space<semaphore_mem>>, %arg30: memref<!tpu.dma_semaphore, #tpu.memory_space<semaphore_mem>>, %arg31: memref<!tpu.dma_semaphore, #tpu.memory_space<semaphore_mem>>, %arg32: memref<!tpu.dma_semaphore, #tpu.memory_space<semaphore_mem>>, %arg33: memref<!tpu.dma_semaphore, #tpu.memory_space<semaphore_mem>>, %arg34: memref<!tpu.dma_semaphore, #tpu.memory_space<semaphore_mem>>, %arg35: memref<!tpu.dma_semaphore, #tpu.memory_space<semaphore_mem>>, %arg36: memref<!tpu.dma_semaphore, #tpu.memory_space<semaphore_mem>>, %arg37: memref<!tpu.dma_semaphore, #tpu.memory_space<semaphore_mem>>, %arg38: memref<!tpu.dma_semaphore, #tpu.memory_space<semaphore_mem>>, %arg39: memref<!tpu.dma_semaphore, #tpu.memory_space<semaphore_mem>>, %arg40: memref<!tpu.dma_semaphore, #tpu.memory_space<semaphore_mem>>, %arg41: memref<!tpu.dma_semaphore, #tpu.memory_space<semaphore_mem>>, %arg42: memref<!tpu.dma_semaphore, #tpu.memory_space<semaphore_mem>>, %arg43: memref<!tpu.dma_semaphore, #tpu.memory_space<semaphore_mem>>, %arg44: memref<!tpu.dma_semaphore, #tpu.memory_space<semaphore_mem>>, %arg45: memref<!tpu.dma_semaphore, #tpu.memory_space<semaphore_mem>>, %arg46: memref<!tpu.dma_semaphore, #tpu.memory_space<semaphore_mem>>, %arg47: memref<!tpu.dma_semaphore, #tpu.memory_space<semaphore_mem>>) attributes {dimension_semantics = [#tpu.dimension_semantics<core_parallel>, #tpu.dimension_semantics<subcore_parallel>], iteration_bounds = array<i64: 2, 16>, scalar_prefetch = 0 : i64, scratch_operands = 42 : i64, tpu.core_type = #tpu.core_type<sc_vector_subcore>, window_params = [{transform_indices = #map}, {transform_indices = #map1}, {transform_indices = #map}, {transform_indices = #map}]} {
    %mul3A = arith.constant 2 : i32
    %mul3A_0 = arith.muli %arg1, %mul3A : i32
    %add3A = arith.addi %mul3A_0, %arg0 : i32
    %mul3A_1 = arith.constant 10000 : i32
    %mul3A_2 = arith.muli %add3A, %mul3A_1 : i32
    "tpu.region"() ({
      %run_scoped3A = tpu.sem_alloc : memref<!tpu.dma_semaphore, #tpu.memory_space<semaphore_mem>>
      %dma_start3A_238 = tpu.memref_slice %arg3[%mul3A_2] : memref<320000xi32, #tpu.memory_space<hbm>> -> memref<10000xi32, #tpu.memory_space<hbm>>
      %dma_start3A_239 = tpu.memref_slice %arg3[%mul3A_2] : memref<320000xi32, #tpu.memory_space<hbm>> -> memref<10000xi32, #tpu.memory_space<hbm>>
      tpu.enqueue_dma source(%dma_start3A_239 : memref<10000xi32, #tpu.memory_space<hbm>>) target(%arg7 : memref<10000xi32, #tpu.memory_space<vmem>>) target_semaphore(%run_scoped3A : memref<!tpu.dma_semaphore, #tpu.memory_space<semaphore_mem>>)
      %dma_wait3A_240 = tpu.memref_slice %arg3[%mul3A_2] : memref<320000xi32, #tpu.memory_space<hbm>> -> memref<10000xi32, #tpu.memory_space<hbm>>
      %dma_wait3A_241 = tpu.memref_slice %arg3[%mul3A_2] : memref<320000xi32, #tpu.memory_space<hbm>> -> memref<10000xi32, #tpu.memory_space<hbm>>
      tpu.wait_dma2 semaphore(%run_scoped3A : memref<!tpu.dma_semaphore, #tpu.memory_space<semaphore_mem>>) src(%dma_wait3A_241 : memref<10000xi32, #tpu.memory_space<hbm>>) dst(%arg7 : memref<10000xi32, #tpu.memory_space<vmem>>)
      tpu.yield
    }) : () -> ()
    %eq3A = arith.constant 0 : i32
    %eq3A_3 = arith.cmpi eq, %arg1, %eq3A : i32
    %convert_element_type3A = arith.extui %eq3A_3 : i1 to i32
    %cond3A = arith.constant 0 : i32
    %cond3A_4 = arith.cmpi ne, %convert_element_type3A, %cond3A : i32
    scf.if %cond3A_4 {
      "tpu.region"() ({
        %run_scoped3A = tpu.sem_alloc : memref<!tpu.dma_semaphore, #tpu.memory_space<semaphore_mem>>
        tpu.enqueue_dma source(%arg4 : memref<240x128xf32, #tpu.memory_space<hbm>>) target(%arg6 : memref<240x128xf32, #tpu.memory_space<vmem_shared>>) target_semaphore(%run_scoped3A : memref<!tpu.dma_semaphore, #tpu.memory_space<semaphore_mem>>)
        tpu.wait_dma2 semaphore(%run_scoped3A : memref<!tpu.dma_semaphore, #tpu.memory_space<semaphore_mem>>) src(%arg4 : memref<240x128xf32, #tpu.memory_space<hbm>>) dst(%arg6 : memref<240x128xf32, #tpu.memory_space<vmem_shared>>)
        tpu.yield
      }) : () -> ()
    } else {
    }
    %barrier3A = arith.constant 0 : index
    tpu.barrier barrier_id(%barrier3A)
    %add3A_5 = arith.constant 0 : i32
    %add3A_6 = arith.addi %mul3A_2, %add3A_5 : i32
    %dma_start3A = arith.constant 0 : i32
    %dma_start3A_7 = tpu.memref_slice %arg2[%add3A_6, %dma_start3A] : memref<320000x128xf32, #tpu.memory_space<hbm>> -> memref<80x128xf32, #tpu.memory_space<hbm>>
    %dma_start3A_8 = arith.constant 0 : i32
    %dma_start3A_9 = tpu.memref_slice %arg2[%add3A_6, %dma_start3A_8] : memref<320000x128xf32, #tpu.memory_space<hbm>> -> memref<80x128xf32, #tpu.memory_space<hbm>>
    tpu.enqueue_dma source(%dma_start3A_9 : memref<80x128xf32, #tpu.memory_space<hbm>>) target(%arg8 : memref<80x128xf32, #tpu.memory_space<vmem>>) target_semaphore(%arg18 : memref<!tpu.dma_semaphore, #tpu.memory_space<semaphore_mem>>)
    %add3A_10 = arith.constant 80 : i32
    %add3A_11 = arith.addi %mul3A_2, %add3A_10 : i32
    %dma_start3A_12 = arith.constant 0 : i32
    %dma_start3A_13 = tpu.memref_slice %arg2[%add3A_11, %dma_start3A_12] : memref<320000x128xf32, #tpu.memory_space<hbm>> -> memref<80x128xf32, #tpu.memory_space<hbm>>
    %dma_start3A_14 = arith.constant 0 : i32
    %dma_start3A_15 = tpu.memref_slice %arg2[%add3A_11, %dma_start3A_14] : memref<320000x128xf32, #tpu.memory_space<hbm>> -> memref<80x128xf32, #tpu.memory_space<hbm>>
    tpu.enqueue_dma source(%dma_start3A_15 : memref<80x128xf32, #tpu.memory_space<hbm>>) target(%arg9 : memref<80x128xf32, #tpu.memory_space<vmem>>) target_semaphore(%arg19 : memref<!tpu.dma_semaphore, #tpu.memory_space<semaphore_mem>>)
    %add3A_16 = arith.constant 160 : i32
    %add3A_17 = arith.addi %mul3A_2, %add3A_16 : i32
    %dma_start3A_18 = arith.constant 0 : i32
    %dma_start3A_19 = tpu.memref_slice %arg2[%add3A_17, %dma_start3A_18] : memref<320000x128xf32, #tpu.memory_space<hbm>> -> memref<80x128xf32, #tpu.memory_space<hbm>>
    %dma_start3A_20 = arith.constant 0 : i32
    %dma_start3A_21 = tpu.memref_slice %arg2[%add3A_17, %dma_start3A_20] : memref<320000x128xf32, #tpu.memory_space<hbm>> -> memref<80x128xf32, #tpu.memory_space<hbm>>
    tpu.enqueue_dma source(%dma_start3A_21 : memref<80x128xf32, #tpu.memory_space<hbm>>) target(%arg10 : memref<80x128xf32, #tpu.memory_space<vmem>>) target_semaphore(%arg20 : memref<!tpu.dma_semaphore, #tpu.memory_space<semaphore_mem>>)
    %add3A_22 = arith.constant 240 : i32
    %add3A_23 = arith.addi %mul3A_2, %add3A_22 : i32
    %dma_start3A_24 = arith.constant 0 : i32
    %dma_start3A_25 = tpu.memref_slice %arg2[%add3A_23, %dma_start3A_24] : memref<320000x128xf32, #tpu.memory_space<hbm>> -> memref<80x128xf32, #tpu.memory_space<hbm>>
    %dma_start3A_26 = arith.constant 0 : i32
    %dma_start3A_27 = tpu.memref_slice %arg2[%add3A_23, %dma_start3A_26] : memref<320000x128xf32, #tpu.memory_space<hbm>> -> memref<80x128xf32, #tpu.memory_space<hbm>>
    tpu.enqueue_dma source(%dma_start3A_27 : memref<80x128xf32, #tpu.memory_space<hbm>>) target(%arg11 : memref<80x128xf32, #tpu.memory_space<vmem>>) target_semaphore(%arg21 : memref<!tpu.dma_semaphore, #tpu.memory_space<semaphore_mem>>)
    %add3A_28 = arith.constant 320 : i32
    %add3A_29 = arith.addi %mul3A_2, %add3A_28 : i32
    %dma_start3A_30 = arith.constant 0 : i32
    %dma_start3A_31 = tpu.memref_slice %arg2[%add3A_29, %dma_start3A_30] : memref<320000x128xf32, #tpu.memory_space<hbm>> -> memref<80x128xf32, #tpu.memory_space<hbm>>
    %dma_start3A_32 = arith.constant 0 : i32
    %dma_start3A_33 = tpu.memref_slice %arg2[%add3A_29, %dma_start3A_32] : memref<320000x128xf32, #tpu.memory_space<hbm>> -> memref<80x128xf32, #tpu.memory_space<hbm>>
    tpu.enqueue_dma source(%dma_start3A_33 : memref<80x128xf32, #tpu.memory_space<hbm>>) target(%arg12 : memref<80x128xf32, #tpu.memory_space<vmem>>) target_semaphore(%arg22 : memref<!tpu.dma_semaphore, #tpu.memory_space<semaphore_mem>>)
    %add3A_34 = arith.constant 0 : i32
    %add3A_35 = arith.addi %mul3A_2, %add3A_34 : i32
    %dma_wait3A = arith.constant 0 : i32
    %dma_wait3A_36 = tpu.memref_slice %arg2[%add3A_35, %dma_wait3A] : memref<320000x128xf32, #tpu.memory_space<hbm>> -> memref<80x128xf32, #tpu.memory_space<hbm>>
    %dma_wait3A_37 = arith.constant 0 : i32
    %dma_wait3A_38 = tpu.memref_slice %arg2[%add3A_35, %dma_wait3A_37] : memref<320000x128xf32, #tpu.memory_space<hbm>> -> memref<80x128xf32, #tpu.memory_space<hbm>>
    tpu.wait_dma2 semaphore(%arg18 : memref<!tpu.dma_semaphore, #tpu.memory_space<semaphore_mem>>) src(%dma_wait3A_38 : memref<80x128xf32, #tpu.memory_space<hbm>>) dst(%arg8 : memref<80x128xf32, #tpu.memory_space<vmem>>)
    %dma_start3A_39 = arith.constant 0 : i32
    %dma_start3A_40 = arith.constant 0 : i32
    %dma_start3A_41 = tpu.memref_slice %arg8[%dma_start3A_39, %dma_start3A_40] : memref<80x128xf32, #tpu.memory_space<vmem>> -> memref<80x128xf32, #tpu.memory_space<vmem>>
    %dma_start3A_42 = arith.constant 0 : i32
    %dma_start3A_43 = tpu.memref_slice %arg7[%dma_start3A_42] : memref<10000xi32, #tpu.memory_space<vmem>> -> memref<80xi32, #tpu.memory_space<vmem>>
    %dma_start3A_44 = arith.constant 0 : i32
    %dma_start3A_45 = arith.constant 0 : i32
    %dma_start3A_46 = tpu.memref_slice %arg6[%dma_start3A_44, %dma_start3A_45] : memref<240x128xf32, #tpu.memory_space<vmem_shared>> -> memref<240x128xf32, #tpu.memory_space<vmem_shared>>
    tpu.enqueue_indirect_dma source(%dma_start3A_46 : memref<240x128xf32, #tpu.memory_space<vmem_shared>>) target(%dma_start3A_41 : memref<80x128xf32, #tpu.memory_space<vmem>>) offsets(%dma_start3A_43 : memref<80xi32, #tpu.memory_space<vmem>>) semaphore(%arg28 : memref<!tpu.dma_semaphore, #tpu.memory_space<semaphore_mem>>) {add = true}
    %scan3A = arith.constant 0 : i32
    %scan3A_47 = arith.constant 0 : i32
    %scan3A_48 = arith.constant 12 : i32
    %scan3A_49 = arith.addi %scan3A_47, %scan3A_48 : i32
    %scan3A_50 = arith.constant 1 : i32
    scf.for %scan3A_238 = %scan3A_47 to %scan3A_49 step %scan3A_50  : i32 {
      %mul3A_239 = arith.constant 10 : i32
      %mul3A_240 = arith.muli %scan3A_238, %mul3A_239 : i32
      %add3A_241 = arith.constant 0 : i32
      %add3A_242 = arith.addi %mul3A_240, %add3A_241 : i32
      %add3A_243 = arith.constant 5 : i32
      %add3A_244 = arith.addi %add3A_242, %add3A_243 : i32
      %lt3A = arith.constant 125 : i32
      %lt3A_245 = arith.cmpi slt, %add3A_244, %lt3A : i32
      %convert_element_type3A_246 = arith.extui %lt3A_245 : i1 to i32
      %cond3A_247 = arith.constant 0 : i32
      %cond3A_248 = arith.cmpi ne, %convert_element_type3A_246, %cond3A_247 : i32
      scf.if %cond3A_248 {
        %ge3A = arith.constant 10 : i32
        %ge3A_578 = arith.cmpi sge, %add3A_244, %ge3A : i32
        %convert_element_type3A_579 = arith.extui %ge3A_578 : i1 to i32
        %cond3A_580 = arith.constant 0 : i32
        %cond3A_581 = arith.cmpi ne, %convert_element_type3A_579, %cond3A_580 : i32
        scf.if %cond3A_581 {
          %sub3A = arith.constant 10 : i32
          %sub3A_589 = arith.subi %add3A_244, %sub3A : i32
          %mul3A_590 = arith.constant 80 : i32
          %mul3A_591 = arith.muli %sub3A_589, %mul3A_590 : i32
          %add3A_592 = arith.addi %mul3A_2, %mul3A_591 : i32
          %dma_wait3A_593 = arith.constant 0 : i32
          %dma_wait3A_594 = tpu.memref_slice %arg5[%add3A_592, %dma_wait3A_593] : memref<320000x128xf32, #tpu.memory_space<hbm>> -> memref<80x128xf32, #tpu.memory_space<hbm>>
          %dma_wait3A_595 = arith.constant 0 : i32
          %dma_wait3A_596 = tpu.memref_slice %arg5[%add3A_592, %dma_wait3A_595] : memref<320000x128xf32, #tpu.memory_space<hbm>> -> memref<80x128xf32, #tpu.memory_space<hbm>>
          tpu.wait_dma2 semaphore(%arg43 : memref<!tpu.dma_semaphore, #tpu.memory_space<semaphore_mem>>) src(%arg13 : memref<80x128xf32, #tpu.memory_space<vmem>>) dst(%dma_wait3A_596 : memref<80x128xf32, #tpu.memory_space<hbm>>)
        } else {
        }
        %mul3A_582 = arith.constant 80 : i32
        %mul3A_583 = arith.muli %add3A_244, %mul3A_582 : i32
        %add3A_584 = arith.addi %mul3A_2, %mul3A_583 : i32
        %dma_start3A_585 = arith.constant 0 : i32
        %dma_start3A_586 = tpu.memref_slice %arg2[%add3A_584, %dma_start3A_585] : memref<320000x128xf32, #tpu.memory_space<hbm>> -> memref<80x128xf32, #tpu.memory_space<hbm>>
        %dma_start3A_587 = arith.constant 0 : i32
        %dma_start3A_588 = tpu.memref_slice %arg2[%add3A_584, %dma_start3A_587] : memref<320000x128xf32, #tpu.memory_space<hbm>> -> memref<80x128xf32, #tpu.memory_space<hbm>>
        tpu.enqueue_dma source(%dma_start3A_588 : memref<80x128xf32, #tpu.memory_space<hbm>>) target(%arg13 : memref<80x128xf32, #tpu.memory_space<vmem>>) target_semaphore(%arg23 : memref<!tpu.dma_semaphore, #tpu.memory_space<semaphore_mem>>)
      } else {
      }
      %add3A_249 = arith.constant 1 : i32
      %add3A_250 = arith.addi %add3A_242, %add3A_249 : i32
      %lt3A_251 = arith.constant 125 : i32
      %lt3A_252 = arith.cmpi slt, %add3A_250, %lt3A_251 : i32
      %convert_element_type3A_253 = arith.extui %lt3A_252 : i1 to i32
      %cond3A_254 = arith.constant 0 : i32
      %cond3A_255 = arith.cmpi ne, %convert_element_type3A_253, %cond3A_254 : i32
      scf.if %cond3A_255 {
        %add3A_578 = arith.constant 1 : i32
        %add3A_579 = arith.addi %add3A_242, %add3A_578 : i32
        %mul3A_580 = arith.constant 80 : i32
        %mul3A_581 = arith.muli %add3A_579, %mul3A_580 : i32
        %add3A_582 = arith.addi %mul3A_2, %mul3A_581 : i32
        %dma_wait3A_583 = arith.constant 0 : i32
        %dma_wait3A_584 = tpu.memref_slice %arg2[%add3A_582, %dma_wait3A_583] : memref<320000x128xf32, #tpu.memory_space<hbm>> -> memref<80x128xf32, #tpu.memory_space<hbm>>
        %dma_wait3A_585 = arith.constant 0 : i32
        %dma_wait3A_586 = tpu.memref_slice %arg2[%add3A_582, %dma_wait3A_585] : memref<320000x128xf32, #tpu.memory_space<hbm>> -> memref<80x128xf32, #tpu.memory_space<hbm>>
        tpu.wait_dma2 semaphore(%arg19 : memref<!tpu.dma_semaphore, #tpu.memory_space<semaphore_mem>>) src(%dma_wait3A_586 : memref<80x128xf32, #tpu.memory_space<hbm>>) dst(%arg9 : memref<80x128xf32, #tpu.memory_space<vmem>>)
        %add3A_587 = arith.constant 1 : i32
        %add3A_588 = arith.addi %add3A_242, %add3A_587 : i32
        %mul3A_589 = arith.constant 80 : i32
        %mul3A_590 = arith.muli %add3A_588, %mul3A_589 : i32
        %dma_start3A_591 = arith.constant 0 : i32
        %dma_start3A_592 = arith.constant 0 : i32
        %dma_start3A_593 = tpu.memref_slice %arg9[%dma_start3A_591, %dma_start3A_592] : memref<80x128xf32, #tpu.memory_space<vmem>> -> memref<80x128xf32, #tpu.memory_space<vmem>>
        %dma_start3A_594 = tpu.memref_slice %arg7[%mul3A_590] : memref<10000xi32, #tpu.memory_space<vmem>> -> memref<80xi32, #tpu.memory_space<vmem>>
        %dma_start3A_595 = arith.constant 0 : i32
        %dma_start3A_596 = arith.constant 0 : i32
        %dma_start3A_597 = tpu.memref_slice %arg6[%dma_start3A_595, %dma_start3A_596] : memref<240x128xf32, #tpu.memory_space<vmem_shared>> -> memref<240x128xf32, #tpu.memory_space<vmem_shared>>
        tpu.enqueue_indirect_dma source(%dma_start3A_597 : memref<240x128xf32, #tpu.memory_space<vmem_shared>>) target(%dma_start3A_593 : memref<80x128xf32, #tpu.memory_space<vmem>>) offsets(%dma_start3A_594 : memref<80xi32, #tpu.memory_space<vmem>>) semaphore(%arg29 : memref<!tpu.dma_semaphore, #tpu.memory_space<semaphore_mem>>) {add = true}
      } else {
      }
      %mul3A_256 = arith.constant 80 : i32
      %mul3A_257 = arith.muli %add3A_242, %mul3A_256 : i32
      %dma_wait3A_258 = arith.constant 0 : i32
      %dma_wait3A_259 = arith.constant 0 : i32
      %dma_wait3A_260 = tpu.memref_slice %arg8[%dma_wait3A_258, %dma_wait3A_259] : memref<80x128xf32, #tpu.memory_space<vmem>> -> memref<80x128xf32, #tpu.memory_space<vmem>>
      %dma_wait3A_261 = tpu.memref_slice %arg7[%mul3A_257] : memref<10000xi32, #tpu.memory_space<vmem>> -> memref<80xi32, #tpu.memory_space<vmem>>
      %dma_wait3A_262 = arith.constant 0 : i32
      %dma_wait3A_263 = arith.constant 0 : i32
      %dma_wait3A_264 = tpu.memref_slice %arg6[%dma_wait3A_262, %dma_wait3A_263] : memref<240x128xf32, #tpu.memory_space<vmem_shared>> -> memref<240x128xf32, #tpu.memory_space<vmem_shared>>
      tpu.wait_indirect_dma semaphore(%arg28 : memref<!tpu.dma_semaphore, #tpu.memory_space<semaphore_mem>>) src(%dma_wait3A_264 : memref<240x128xf32, #tpu.memory_space<vmem_shared>>) dst(%dma_wait3A_260 : memref<80x128xf32, #tpu.memory_space<vmem>>)
      %mul3A_265 = arith.constant 80 : i32
      %mul3A_266 = arith.muli %add3A_242, %mul3A_265 : i32
      %add3A_267 = arith.addi %mul3A_2, %mul3A_266 : i32
      %dma_start3A_268 = arith.constant 0 : i32
      %dma_start3A_269 = tpu.memref_slice %arg5[%add3A_267, %dma_start3A_268] : memref<320000x128xf32, #tpu.memory_space<hbm>> -> memref<80x128xf32, #tpu.memory_space<hbm>>
      %dma_start3A_270 = arith.constant 0 : i32
      %dma_start3A_271 = tpu.memref_slice %arg5[%add3A_267, %dma_start3A_270] : memref<320000x128xf32, #tpu.memory_space<hbm>> -> memref<80x128xf32, #tpu.memory_space<hbm>>
      tpu.enqueue_dma source(%arg8 : memref<80x128xf32, #tpu.memory_space<vmem>>) target(%dma_start3A_271 : memref<80x128xf32, #tpu.memory_space<hbm>>) target_semaphore(%arg38 : memref<!tpu.dma_semaphore, #tpu.memory_space<semaphore_mem>>)
      %mul3A_272 = arith.constant 10 : i32
      %mul3A_273 = arith.muli %scan3A_238, %mul3A_272 : i32
      %add3A_274 = arith.constant 1 : i32
      %add3A_275 = arith.addi %mul3A_273, %add3A_274 : i32
      %add3A_276 = arith.constant 5 : i32
      %add3A_277 = arith.addi %add3A_275, %add3A_276 : i32
      %lt3A_278 = arith.constant 125 : i32
      %lt3A_279 = arith.cmpi slt, %add3A_277, %lt3A_278 : i32
      %convert_element_type3A_280 = arith.extui %lt3A_279 : i1 to i32
      %cond3A_281 = arith.constant 0 : i32
      %cond3A_282 = arith.cmpi ne, %convert_element_type3A_280, %cond3A_281 : i32
      scf.if %cond3A_282 {
        %ge3A = arith.constant 10 : i32
        %ge3A_578 = arith.cmpi sge, %add3A_277, %ge3A : i32
        %convert_element_type3A_579 = arith.extui %ge3A_578 : i1 to i32
        %cond3A_580 = arith.constant 0 : i32
        %cond3A_581 = arith.cmpi ne, %convert_element_type3A_579, %cond3A_580 : i32
        scf.if %cond3A_581 {
          %sub3A = arith.constant 10 : i32
          %sub3A_589 = arith.subi %add3A_277, %sub3A : i32
          %mul3A_590 = arith.constant 80 : i32
          %mul3A_591 = arith.muli %sub3A_589, %mul3A_590 : i32
          %add3A_592 = arith.addi %mul3A_2, %mul3A_591 : i32
          %dma_wait3A_593 = arith.constant 0 : i32
          %dma_wait3A_594 = tpu.memref_slice %arg5[%add3A_592, %dma_wait3A_593] : memref<320000x128xf32, #tpu.memory_space<hbm>> -> memref<80x128xf32, #tpu.memory_space<hbm>>
          %dma_wait3A_595 = arith.constant 0 : i32
          %dma_wait3A_596 = tpu.memref_slice %arg5[%add3A_592, %dma_wait3A_595] : memref<320000x128xf32, #tpu.memory_space<hbm>> -> memref<80x128xf32, #tpu.memory_space<hbm>>
          tpu.wait_dma2 semaphore(%arg44 : memref<!tpu.dma_semaphore, #tpu.memory_space<semaphore_mem>>) src(%arg14 : memref<80x128xf32, #tpu.memory_space<vmem>>) dst(%dma_wait3A_596 : memref<80x128xf32, #tpu.memory_space<hbm>>)
        } else {
        }
        %mul3A_582 = arith.constant 80 : i32
        %mul3A_583 = arith.muli %add3A_277, %mul3A_582 : i32
        %add3A_584 = arith.addi %mul3A_2, %mul3A_583 : i32
        %dma_start3A_585 = arith.constant 0 : i32
        %dma_start3A_586 = tpu.memref_slice %arg2[%add3A_584, %dma_start3A_585] : memref<320000x128xf32, #tpu.memory_space<hbm>> -> memref<80x128xf32, #tpu.memory_space<hbm>>
        %dma_start3A_587 = arith.constant 0 : i32
        %dma_start3A_588 = tpu.memref_slice %arg2[%add3A_584, %dma_start3A_587] : memref<320000x128xf32, #tpu.memory_space<hbm>> -> memref<80x128xf32, #tpu.memory_space<hbm>>
        tpu.enqueue_dma source(%dma_start3A_588 : memref<80x128xf32, #tpu.memory_space<hbm>>) target(%arg14 : memref<80x128xf32, #tpu.memory_space<vmem>>) target_semaphore(%arg24 : memref<!tpu.dma_semaphore, #tpu.memory_space<semaphore_mem>>)
      } else {
      }
      %add3A_283 = arith.constant 1 : i32
      %add3A_284 = arith.addi %add3A_275, %add3A_283 : i32
      %lt3A_285 = arith.constant 125 : i32
      %lt3A_286 = arith.cmpi slt, %add3A_284, %lt3A_285 : i32
      %convert_element_type3A_287 = arith.extui %lt3A_286 : i1 to i32
      %cond3A_288 = arith.constant 0 : i32
      %cond3A_289 = arith.cmpi ne, %convert_element_type3A_287, %cond3A_288 : i32
      scf.if %cond3A_289 {
        %add3A_578 = arith.constant 1 : i32
        %add3A_579 = arith.addi %add3A_275, %add3A_578 : i32
        %mul3A_580 = arith.constant 80 : i32
        %mul3A_581 = arith.muli %add3A_579, %mul3A_580 : i32
        %add3A_582 = arith.addi %mul3A_2, %mul3A_581 : i32
        %dma_wait3A_583 = arith.constant 0 : i32
        %dma_wait3A_584 = tpu.memref_slice %arg2[%add3A_582, %dma_wait3A_583] : memref<320000x128xf32, #tpu.memory_space<hbm>> -> memref<80x128xf32, #tpu.memory_space<hbm>>
        %dma_wait3A_585 = arith.constant 0 : i32
        %dma_wait3A_586 = tpu.memref_slice %arg2[%add3A_582, %dma_wait3A_585] : memref<320000x128xf32, #tpu.memory_space<hbm>> -> memref<80x128xf32, #tpu.memory_space<hbm>>
        tpu.wait_dma2 semaphore(%arg20 : memref<!tpu.dma_semaphore, #tpu.memory_space<semaphore_mem>>) src(%dma_wait3A_586 : memref<80x128xf32, #tpu.memory_space<hbm>>) dst(%arg10 : memref<80x128xf32, #tpu.memory_space<vmem>>)
        %add3A_587 = arith.constant 1 : i32
        %add3A_588 = arith.addi %add3A_275, %add3A_587 : i32
        %mul3A_589 = arith.constant 80 : i32
        %mul3A_590 = arith.muli %add3A_588, %mul3A_589 : i32
        %dma_start3A_591 = arith.constant 0 : i32
        %dma_start3A_592 = arith.constant 0 : i32
        %dma_start3A_593 = tpu.memref_slice %arg10[%dma_start3A_591, %dma_start3A_592] : memref<80x128xf32, #tpu.memory_space<vmem>> -> memref<80x128xf32, #tpu.memory_space<vmem>>
        %dma_start3A_594 = tpu.memref_slice %arg7[%mul3A_590] : memref<10000xi32, #tpu.memory_space<vmem>> -> memref<80xi32, #tpu.memory_space<vmem>>
        %dma_start3A_595 = arith.constant 0 : i32
        %dma_start3A_596 = arith.constant 0 : i32
        %dma_start3A_597 = tpu.memref_slice %arg6[%dma_start3A_595, %dma_start3A_596] : memref<240x128xf32, #tpu.memory_space<vmem_shared>> -> memref<240x128xf32, #tpu.memory_space<vmem_shared>>
        tpu.enqueue_indirect_dma source(%dma_start3A_597 : memref<240x128xf32, #tpu.memory_space<vmem_shared>>) target(%dma_start3A_593 : memref<80x128xf32, #tpu.memory_space<vmem>>) offsets(%dma_start3A_594 : memref<80xi32, #tpu.memory_space<vmem>>) semaphore(%arg30 : memref<!tpu.dma_semaphore, #tpu.memory_space<semaphore_mem>>) {add = true}
      } else {
      }
      %mul3A_290 = arith.constant 80 : i32
      %mul3A_291 = arith.muli %add3A_275, %mul3A_290 : i32
      %dma_wait3A_292 = arith.constant 0 : i32
      %dma_wait3A_293 = arith.constant 0 : i32
      %dma_wait3A_294 = tpu.memref_slice %arg9[%dma_wait3A_292, %dma_wait3A_293] : memref<80x128xf32, #tpu.memory_space<vmem>> -> memref<80x128xf32, #tpu.memory_space<vmem>>
      %dma_wait3A_295 = tpu.memref_slice %arg7[%mul3A_291] : memref<10000xi32, #tpu.memory_space<vmem>> -> memref<80xi32, #tpu.memory_space<vmem>>
      %dma_wait3A_296 = arith.constant 0 : i32
      %dma_wait3A_297 = arith.constant 0 : i32
      %dma_wait3A_298 = tpu.memref_slice %arg6[%dma_wait3A_296, %dma_wait3A_297] : memref<240x128xf32, #tpu.memory_space<vmem_shared>> -> memref<240x128xf32, #tpu.memory_space<vmem_shared>>
      tpu.wait_indirect_dma semaphore(%arg29 : memref<!tpu.dma_semaphore, #tpu.memory_space<semaphore_mem>>) src(%dma_wait3A_298 : memref<240x128xf32, #tpu.memory_space<vmem_shared>>) dst(%dma_wait3A_294 : memref<80x128xf32, #tpu.memory_space<vmem>>)
      %mul3A_299 = arith.constant 80 : i32
      %mul3A_300 = arith.muli %add3A_275, %mul3A_299 : i32
      %add3A_301 = arith.addi %mul3A_2, %mul3A_300 : i32
      %dma_start3A_302 = arith.constant 0 : i32
      %dma_start3A_303 = tpu.memref_slice %arg5[%add3A_301, %dma_start3A_302] : memref<320000x128xf32, #tpu.memory_space<hbm>> -> memref<80x128xf32, #tpu.memory_space<hbm>>
      %dma_start3A_304 = arith.constant 0 : i32
      %dma_start3A_305 = tpu.memref_slice %arg5[%add3A_301, %dma_start3A_304] : memref<320000x128xf32, #tpu.memory_space<hbm>> -> memref<80x128xf32, #tpu.memory_space<hbm>>
      tpu.enqueue_dma source(%arg9 : memref<80x128xf32, #tpu.memory_space<vmem>>) target(%dma_start3A_305 : memref<80x128xf32, #tpu.memory_space<hbm>>) target_semaphore(%arg39 : memref<!tpu.dma_semaphore, #tpu.memory_space<semaphore_mem>>)
      %mul3A_306 = arith.constant 10 : i32
      %mul3A_307 = arith.muli %scan3A_238, %mul3A_306 : i32
      %add3A_308 = arith.constant 2 : i32
      %add3A_309 = arith.addi %mul3A_307, %add3A_308 : i32
      %add3A_310 = arith.constant 5 : i32
      %add3A_311 = arith.addi %add3A_309, %add3A_310 : i32
      %lt3A_312 = arith.constant 125 : i32
      %lt3A_313 = arith.cmpi slt, %add3A_311, %lt3A_312 : i32
      %convert_element_type3A_314 = arith.extui %lt3A_313 : i1 to i32
      %cond3A_315 = arith.constant 0 : i32
      %cond3A_316 = arith.cmpi ne, %convert_element_type3A_314, %cond3A_315 : i32
      scf.if %cond3A_316 {
        %ge3A = arith.constant 10 : i32
        %ge3A_578 = arith.cmpi sge, %add3A_311, %ge3A : i32
        %convert_element_type3A_579 = arith.extui %ge3A_578 : i1 to i32
        %cond3A_580 = arith.constant 0 : i32
        %cond3A_581 = arith.cmpi ne, %convert_element_type3A_579, %cond3A_580 : i32
        scf.if %cond3A_581 {
          %sub3A = arith.constant 10 : i32
          %sub3A_589 = arith.subi %add3A_311, %sub3A : i32
          %mul3A_590 = arith.constant 80 : i32
          %mul3A_591 = arith.muli %sub3A_589, %mul3A_590 : i32
          %add3A_592 = arith.addi %mul3A_2, %mul3A_591 : i32
          %dma_wait3A_593 = arith.constant 0 : i32
          %dma_wait3A_594 = tpu.memref_slice %arg5[%add3A_592, %dma_wait3A_593] : memref<320000x128xf32, #tpu.memory_space<hbm>> -> memref<80x128xf32, #tpu.memory_space<hbm>>
          %dma_wait3A_595 = arith.constant 0 : i32
          %dma_wait3A_596 = tpu.memref_slice %arg5[%add3A_592, %dma_wait3A_595] : memref<320000x128xf32, #tpu.memory_space<hbm>> -> memref<80x128xf32, #tpu.memory_space<hbm>>
          tpu.wait_dma2 semaphore(%arg45 : memref<!tpu.dma_semaphore, #tpu.memory_space<semaphore_mem>>) src(%arg15 : memref<80x128xf32, #tpu.memory_space<vmem>>) dst(%dma_wait3A_596 : memref<80x128xf32, #tpu.memory_space<hbm>>)
        } else {
        }
        %mul3A_582 = arith.constant 80 : i32
        %mul3A_583 = arith.muli %add3A_311, %mul3A_582 : i32
        %add3A_584 = arith.addi %mul3A_2, %mul3A_583 : i32
        %dma_start3A_585 = arith.constant 0 : i32
        %dma_start3A_586 = tpu.memref_slice %arg2[%add3A_584, %dma_start3A_585] : memref<320000x128xf32, #tpu.memory_space<hbm>> -> memref<80x128xf32, #tpu.memory_space<hbm>>
        %dma_start3A_587 = arith.constant 0 : i32
        %dma_start3A_588 = tpu.memref_slice %arg2[%add3A_584, %dma_start3A_587] : memref<320000x128xf32, #tpu.memory_space<hbm>> -> memref<80x128xf32, #tpu.memory_space<hbm>>
        tpu.enqueue_dma source(%dma_start3A_588 : memref<80x128xf32, #tpu.memory_space<hbm>>) target(%arg15 : memref<80x128xf32, #tpu.memory_space<vmem>>) target_semaphore(%arg25 : memref<!tpu.dma_semaphore, #tpu.memory_space<semaphore_mem>>)
      } else {
      }
      %add3A_317 = arith.constant 1 : i32
      %add3A_318 = arith.addi %add3A_309, %add3A_317 : i32
      %lt3A_319 = arith.constant 125 : i32
      %lt3A_320 = arith.cmpi slt, %add3A_318, %lt3A_319 : i32
      %convert_element_type3A_321 = arith.extui %lt3A_320 : i1 to i32
      %cond3A_322 = arith.constant 0 : i32
      %cond3A_323 = arith.cmpi ne, %convert_element_type3A_321, %cond3A_322 : i32
      scf.if %cond3A_323 {
        %add3A_578 = arith.constant 1 : i32
        %add3A_579 = arith.addi %add3A_309, %add3A_578 : i32
        %mul3A_580 = arith.constant 80 : i32
        %mul3A_581 = arith.muli %add3A_579, %mul3A_580 : i32
        %add3A_582 = arith.addi %mul3A_2, %mul3A_581 : i32
        %dma_wait3A_583 = arith.constant 0 : i32
        %dma_wait3A_584 = tpu.memref_slice %arg2[%add3A_582, %dma_wait3A_583] : memref<320000x128xf32, #tpu.memory_space<hbm>> -> memref<80x128xf32, #tpu.memory_space<hbm>>
        %dma_wait3A_585 = arith.constant 0 : i32
        %dma_wait3A_586 = tpu.memref_slice %arg2[%add3A_582, %dma_wait3A_585] : memref<320000x128xf32, #tpu.memory_space<hbm>> -> memref<80x128xf32, #tpu.memory_space<hbm>>
        tpu.wait_dma2 semaphore(%arg21 : memref<!tpu.dma_semaphore, #tpu.memory_space<semaphore_mem>>) src(%dma_wait3A_586 : memref<80x128xf32, #tpu.memory_space<hbm>>) dst(%arg11 : memref<80x128xf32, #tpu.memory_space<vmem>>)
        %add3A_587 = arith.constant 1 : i32
        %add3A_588 = arith.addi %add3A_309, %add3A_587 : i32
        %mul3A_589 = arith.constant 80 : i32
        %mul3A_590 = arith.muli %add3A_588, %mul3A_589 : i32
        %dma_start3A_591 = arith.constant 0 : i32
        %dma_start3A_592 = arith.constant 0 : i32
        %dma_start3A_593 = tpu.memref_slice %arg11[%dma_start3A_591, %dma_start3A_592] : memref<80x128xf32, #tpu.memory_space<vmem>> -> memref<80x128xf32, #tpu.memory_space<vmem>>
        %dma_start3A_594 = tpu.memref_slice %arg7[%mul3A_590] : memref<10000xi32, #tpu.memory_space<vmem>> -> memref<80xi32, #tpu.memory_space<vmem>>
        %dma_start3A_595 = arith.constant 0 : i32
        %dma_start3A_596 = arith.constant 0 : i32
        %dma_start3A_597 = tpu.memref_slice %arg6[%dma_start3A_595, %dma_start3A_596] : memref<240x128xf32, #tpu.memory_space<vmem_shared>> -> memref<240x128xf32, #tpu.memory_space<vmem_shared>>
        tpu.enqueue_indirect_dma source(%dma_start3A_597 : memref<240x128xf32, #tpu.memory_space<vmem_shared>>) target(%dma_start3A_593 : memref<80x128xf32, #tpu.memory_space<vmem>>) offsets(%dma_start3A_594 : memref<80xi32, #tpu.memory_space<vmem>>) semaphore(%arg31 : memref<!tpu.dma_semaphore, #tpu.memory_space<semaphore_mem>>) {add = true}
      } else {
      }
      %mul3A_324 = arith.constant 80 : i32
      %mul3A_325 = arith.muli %add3A_309, %mul3A_324 : i32
      %dma_wait3A_326 = arith.constant 0 : i32
      %dma_wait3A_327 = arith.constant 0 : i32
      %dma_wait3A_328 = tpu.memref_slice %arg10[%dma_wait3A_326, %dma_wait3A_327] : memref<80x128xf32, #tpu.memory_space<vmem>> -> memref<80x128xf32, #tpu.memory_space<vmem>>
      %dma_wait3A_329 = tpu.memref_slice %arg7[%mul3A_325] : memref<10000xi32, #tpu.memory_space<vmem>> -> memref<80xi32, #tpu.memory_space<vmem>>
      %dma_wait3A_330 = arith.constant 0 : i32
      %dma_wait3A_331 = arith.constant 0 : i32
      %dma_wait3A_332 = tpu.memref_slice %arg6[%dma_wait3A_330, %dma_wait3A_331] : memref<240x128xf32, #tpu.memory_space<vmem_shared>> -> memref<240x128xf32, #tpu.memory_space<vmem_shared>>
      tpu.wait_indirect_dma semaphore(%arg30 : memref<!tpu.dma_semaphore, #tpu.memory_space<semaphore_mem>>) src(%dma_wait3A_332 : memref<240x128xf32, #tpu.memory_space<vmem_shared>>) dst(%dma_wait3A_328 : memref<80x128xf32, #tpu.memory_space<vmem>>)
      %mul3A_333 = arith.constant 80 : i32
      %mul3A_334 = arith.muli %add3A_309, %mul3A_333 : i32
      %add3A_335 = arith.addi %mul3A_2, %mul3A_334 : i32
      %dma_start3A_336 = arith.constant 0 : i32
      %dma_start3A_337 = tpu.memref_slice %arg5[%add3A_335, %dma_start3A_336] : memref<320000x128xf32, #tpu.memory_space<hbm>> -> memref<80x128xf32, #tpu.memory_space<hbm>>
      %dma_start3A_338 = arith.constant 0 : i32
      %dma_start3A_339 = tpu.memref_slice %arg5[%add3A_335, %dma_start3A_338] : memref<320000x128xf32, #tpu.memory_space<hbm>> -> memref<80x128xf32, #tpu.memory_space<hbm>>
      tpu.enqueue_dma source(%arg10 : memref<80x128xf32, #tpu.memory_space<vmem>>) target(%dma_start3A_339 : memref<80x128xf32, #tpu.memory_space<hbm>>) target_semaphore(%arg40 : memref<!tpu.dma_semaphore, #tpu.memory_space<semaphore_mem>>)
      %mul3A_340 = arith.constant 10 : i32
      %mul3A_341 = arith.muli %scan3A_238, %mul3A_340 : i32
      %add3A_342 = arith.constant 3 : i32
      %add3A_343 = arith.addi %mul3A_341, %add3A_342 : i32
      %add3A_344 = arith.constant 5 : i32
      %add3A_345 = arith.addi %add3A_343, %add3A_344 : i32
      %lt3A_346 = arith.constant 125 : i32
      %lt3A_347 = arith.cmpi slt, %add3A_345, %lt3A_346 : i32
      %convert_element_type3A_348 = arith.extui %lt3A_347 : i1 to i32
      %cond3A_349 = arith.constant 0 : i32
      %cond3A_350 = arith.cmpi ne, %convert_element_type3A_348, %cond3A_349 : i32
      scf.if %cond3A_350 {
        %ge3A = arith.constant 10 : i32
        %ge3A_578 = arith.cmpi sge, %add3A_345, %ge3A : i32
        %convert_element_type3A_579 = arith.extui %ge3A_578 : i1 to i32
        %cond3A_580 = arith.constant 0 : i32
        %cond3A_581 = arith.cmpi ne, %convert_element_type3A_579, %cond3A_580 : i32
        scf.if %cond3A_581 {
          %sub3A = arith.constant 10 : i32
          %sub3A_589 = arith.subi %add3A_345, %sub3A : i32
          %mul3A_590 = arith.constant 80 : i32
          %mul3A_591 = arith.muli %sub3A_589, %mul3A_590 : i32
          %add3A_592 = arith.addi %mul3A_2, %mul3A_591 : i32
          %dma_wait3A_593 = arith.constant 0 : i32
          %dma_wait3A_594 = tpu.memref_slice %arg5[%add3A_592, %dma_wait3A_593] : memref<320000x128xf32, #tpu.memory_space<hbm>> -> memref<80x128xf32, #tpu.memory_space<hbm>>
          %dma_wait3A_595 = arith.constant 0 : i32
          %dma_wait3A_596 = tpu.memref_slice %arg5[%add3A_592, %dma_wait3A_595] : memref<320000x128xf32, #tpu.memory_space<hbm>> -> memref<80x128xf32, #tpu.memory_space<hbm>>
          tpu.wait_dma2 semaphore(%arg46 : memref<!tpu.dma_semaphore, #tpu.memory_space<semaphore_mem>>) src(%arg16 : memref<80x128xf32, #tpu.memory_space<vmem>>) dst(%dma_wait3A_596 : memref<80x128xf32, #tpu.memory_space<hbm>>)
        } else {
        }
        %mul3A_582 = arith.constant 80 : i32
        %mul3A_583 = arith.muli %add3A_345, %mul3A_582 : i32
        %add3A_584 = arith.addi %mul3A_2, %mul3A_583 : i32
        %dma_start3A_585 = arith.constant 0 : i32
        %dma_start3A_586 = tpu.memref_slice %arg2[%add3A_584, %dma_start3A_585] : memref<320000x128xf32, #tpu.memory_space<hbm>> -> memref<80x128xf32, #tpu.memory_space<hbm>>
        %dma_start3A_587 = arith.constant 0 : i32
        %dma_start3A_588 = tpu.memref_slice %arg2[%add3A_584, %dma_start3A_587] : memref<320000x128xf32, #tpu.memory_space<hbm>> -> memref<80x128xf32, #tpu.memory_space<hbm>>
        tpu.enqueue_dma source(%dma_start3A_588 : memref<80x128xf32, #tpu.memory_space<hbm>>) target(%arg16 : memref<80x128xf32, #tpu.memory_space<vmem>>) target_semaphore(%arg26 : memref<!tpu.dma_semaphore, #tpu.memory_space<semaphore_mem>>)
      } else {
      }
      %add3A_351 = arith.constant 1 : i32
      %add3A_352 = arith.addi %add3A_343, %add3A_351 : i32
      %lt3A_353 = arith.constant 125 : i32
      %lt3A_354 = arith.cmpi slt, %add3A_352, %lt3A_353 : i32
      %convert_element_type3A_355 = arith.extui %lt3A_354 : i1 to i32
      %cond3A_356 = arith.constant 0 : i32
      %cond3A_357 = arith.cmpi ne, %convert_element_type3A_355, %cond3A_356 : i32
      scf.if %cond3A_357 {
        %add3A_578 = arith.constant 1 : i32
        %add3A_579 = arith.addi %add3A_343, %add3A_578 : i32
        %mul3A_580 = arith.constant 80 : i32
        %mul3A_581 = arith.muli %add3A_579, %mul3A_580 : i32
        %add3A_582 = arith.addi %mul3A_2, %mul3A_581 : i32
        %dma_wait3A_583 = arith.constant 0 : i32
        %dma_wait3A_584 = tpu.memref_slice %arg2[%add3A_582, %dma_wait3A_583] : memref<320000x128xf32, #tpu.memory_space<hbm>> -> memref<80x128xf32, #tpu.memory_space<hbm>>
        %dma_wait3A_585 = arith.constant 0 : i32
        %dma_wait3A_586 = tpu.memref_slice %arg2[%add3A_582, %dma_wait3A_585] : memref<320000x128xf32, #tpu.memory_space<hbm>> -> memref<80x128xf32, #tpu.memory_space<hbm>>
        tpu.wait_dma2 semaphore(%arg22 : memref<!tpu.dma_semaphore, #tpu.memory_space<semaphore_mem>>) src(%dma_wait3A_586 : memref<80x128xf32, #tpu.memory_space<hbm>>) dst(%arg12 : memref<80x128xf32, #tpu.memory_space<vmem>>)
        %add3A_587 = arith.constant 1 : i32
        %add3A_588 = arith.addi %add3A_343, %add3A_587 : i32
        %mul3A_589 = arith.constant 80 : i32
        %mul3A_590 = arith.muli %add3A_588, %mul3A_589 : i32
        %dma_start3A_591 = arith.constant 0 : i32
        %dma_start3A_592 = arith.constant 0 : i32
        %dma_start3A_593 = tpu.memref_slice %arg12[%dma_start3A_591, %dma_start3A_592] : memref<80x128xf32, #tpu.memory_space<vmem>> -> memref<80x128xf32, #tpu.memory_space<vmem>>
        %dma_start3A_594 = tpu.memref_slice %arg7[%mul3A_590] : memref<10000xi32, #tpu.memory_space<vmem>> -> memref<80xi32, #tpu.memory_space<vmem>>
        %dma_start3A_595 = arith.constant 0 : i32
        %dma_start3A_596 = arith.constant 0 : i32
        %dma_start3A_597 = tpu.memref_slice %arg6[%dma_start3A_595, %dma_start3A_596] : memref<240x128xf32, #tpu.memory_space<vmem_shared>> -> memref<240x128xf32, #tpu.memory_space<vmem_shared>>
        tpu.enqueue_indirect_dma source(%dma_start3A_597 : memref<240x128xf32, #tpu.memory_space<vmem_shared>>) target(%dma_start3A_593 : memref<80x128xf32, #tpu.memory_space<vmem>>) offsets(%dma_start3A_594 : memref<80xi32, #tpu.memory_space<vmem>>) semaphore(%arg32 : memref<!tpu.dma_semaphore, #tpu.memory_space<semaphore_mem>>) {add = true}
      } else {
      }
      %mul3A_358 = arith.constant 80 : i32
      %mul3A_359 = arith.muli %add3A_343, %mul3A_358 : i32
      %dma_wait3A_360 = arith.constant 0 : i32
      %dma_wait3A_361 = arith.constant 0 : i32
      %dma_wait3A_362 = tpu.memref_slice %arg11[%dma_wait3A_360, %dma_wait3A_361] : memref<80x128xf32, #tpu.memory_space<vmem>> -> memref<80x128xf32, #tpu.memory_space<vmem>>
      %dma_wait3A_363 = tpu.memref_slice %arg7[%mul3A_359] : memref<10000xi32, #tpu.memory_space<vmem>> -> memref<80xi32, #tpu.memory_space<vmem>>
      %dma_wait3A_364 = arith.constant 0 : i32
      %dma_wait3A_365 = arith.constant 0 : i32
      %dma_wait3A_366 = tpu.memref_slice %arg6[%dma_wait3A_364, %dma_wait3A_365] : memref<240x128xf32, #tpu.memory_space<vmem_shared>> -> memref<240x128xf32, #tpu.memory_space<vmem_shared>>
      tpu.wait_indirect_dma semaphore(%arg31 : memref<!tpu.dma_semaphore, #tpu.memory_space<semaphore_mem>>) src(%dma_wait3A_366 : memref<240x128xf32, #tpu.memory_space<vmem_shared>>) dst(%dma_wait3A_362 : memref<80x128xf32, #tpu.memory_space<vmem>>)
      %mul3A_367 = arith.constant 80 : i32
      %mul3A_368 = arith.muli %add3A_343, %mul3A_367 : i32
      %add3A_369 = arith.addi %mul3A_2, %mul3A_368 : i32
      %dma_start3A_370 = arith.constant 0 : i32
      %dma_start3A_371 = tpu.memref_slice %arg5[%add3A_369, %dma_start3A_370] : memref<320000x128xf32, #tpu.memory_space<hbm>> -> memref<80x128xf32, #tpu.memory_space<hbm>>
      %dma_start3A_372 = arith.constant 0 : i32
      %dma_start3A_373 = tpu.memref_slice %arg5[%add3A_369, %dma_start3A_372] : memref<320000x128xf32, #tpu.memory_space<hbm>> -> memref<80x128xf32, #tpu.memory_space<hbm>>
      tpu.enqueue_dma source(%arg11 : memref<80x128xf32, #tpu.memory_space<vmem>>) target(%dma_start3A_373 : memref<80x128xf32, #tpu.memory_space<hbm>>) target_semaphore(%arg41 : memref<!tpu.dma_semaphore, #tpu.memory_space<semaphore_mem>>)
      %mul3A_374 = arith.constant 10 : i32
      %mul3A_375 = arith.muli %scan3A_238, %mul3A_374 : i32
      %add3A_376 = arith.constant 4 : i32
      %add3A_377 = arith.addi %mul3A_375, %add3A_376 : i32
      %add3A_378 = arith.constant 5 : i32
      %add3A_379 = arith.addi %add3A_377, %add3A_378 : i32
      %lt3A_380 = arith.constant 125 : i32
      %lt3A_381 = arith.cmpi slt, %add3A_379, %lt3A_380 : i32
      %convert_element_type3A_382 = arith.extui %lt3A_381 : i1 to i32
      %cond3A_383 = arith.constant 0 : i32
      %cond3A_384 = arith.cmpi ne, %convert_element_type3A_382, %cond3A_383 : i32
      scf.if %cond3A_384 {
        %ge3A = arith.constant 10 : i32
        %ge3A_578 = arith.cmpi sge, %add3A_379, %ge3A : i32
        %convert_element_type3A_579 = arith.extui %ge3A_578 : i1 to i32
        %cond3A_580 = arith.constant 0 : i32
        %cond3A_581 = arith.cmpi ne, %convert_element_type3A_579, %cond3A_580 : i32
        scf.if %cond3A_581 {
          %sub3A = arith.constant 10 : i32
          %sub3A_589 = arith.subi %add3A_379, %sub3A : i32
          %mul3A_590 = arith.constant 80 : i32
          %mul3A_591 = arith.muli %sub3A_589, %mul3A_590 : i32
          %add3A_592 = arith.addi %mul3A_2, %mul3A_591 : i32
          %dma_wait3A_593 = arith.constant 0 : i32
          %dma_wait3A_594 = tpu.memref_slice %arg5[%add3A_592, %dma_wait3A_593] : memref<320000x128xf32, #tpu.memory_space<hbm>> -> memref<80x128xf32, #tpu.memory_space<hbm>>
          %dma_wait3A_595 = arith.constant 0 : i32
          %dma_wait3A_596 = tpu.memref_slice %arg5[%add3A_592, %dma_wait3A_595] : memref<320000x128xf32, #tpu.memory_space<hbm>> -> memref<80x128xf32, #tpu.memory_space<hbm>>
          tpu.wait_dma2 semaphore(%arg47 : memref<!tpu.dma_semaphore, #tpu.memory_space<semaphore_mem>>) src(%arg17 : memref<80x128xf32, #tpu.memory_space<vmem>>) dst(%dma_wait3A_596 : memref<80x128xf32, #tpu.memory_space<hbm>>)
        } else {
        }
        %mul3A_582 = arith.constant 80 : i32
        %mul3A_583 = arith.muli %add3A_379, %mul3A_582 : i32
        %add3A_584 = arith.addi %mul3A_2, %mul3A_583 : i32
        %dma_start3A_585 = arith.constant 0 : i32
        %dma_start3A_586 = tpu.memref_slice %arg2[%add3A_584, %dma_start3A_585] : memref<320000x128xf32, #tpu.memory_space<hbm>> -> memref<80x128xf32, #tpu.memory_space<hbm>>
        %dma_start3A_587 = arith.constant 0 : i32
        %dma_start3A_588 = tpu.memref_slice %arg2[%add3A_584, %dma_start3A_587] : memref<320000x128xf32, #tpu.memory_space<hbm>> -> memref<80x128xf32, #tpu.memory_space<hbm>>
        tpu.enqueue_dma source(%dma_start3A_588 : memref<80x128xf32, #tpu.memory_space<hbm>>) target(%arg17 : memref<80x128xf32, #tpu.memory_space<vmem>>) target_semaphore(%arg27 : memref<!tpu.dma_semaphore, #tpu.memory_space<semaphore_mem>>)
      } else {
      }
      %add3A_385 = arith.constant 1 : i32
      %add3A_386 = arith.addi %add3A_377, %add3A_385 : i32
      %lt3A_387 = arith.constant 125 : i32
      %lt3A_388 = arith.cmpi slt, %add3A_386, %lt3A_387 : i32
      %convert_element_type3A_389 = arith.extui %lt3A_388 : i1 to i32
      %cond3A_390 = arith.constant 0 : i32
      %cond3A_391 = arith.cmpi ne, %convert_element_type3A_389, %cond3A_390 : i32
      scf.if %cond3A_391 {
        %add3A_578 = arith.constant 1 : i32
        %add3A_579 = arith.addi %add3A_377, %add3A_578 : i32
        %mul3A_580 = arith.constant 80 : i32
        %mul3A_581 = arith.muli %add3A_579, %mul3A_580 : i32
        %add3A_582 = arith.addi %mul3A_2, %mul3A_581 : i32
        %dma_wait3A_583 = arith.constant 0 : i32
        %dma_wait3A_584 = tpu.memref_slice %arg2[%add3A_582, %dma_wait3A_583] : memref<320000x128xf32, #tpu.memory_space<hbm>> -> memref<80x128xf32, #tpu.memory_space<hbm>>
        %dma_wait3A_585 = arith.constant 0 : i32
        %dma_wait3A_586 = tpu.memref_slice %arg2[%add3A_582, %dma_wait3A_585] : memref<320000x128xf32, #tpu.memory_space<hbm>> -> memref<80x128xf32, #tpu.memory_space<hbm>>
        tpu.wait_dma2 semaphore(%arg23 : memref<!tpu.dma_semaphore, #tpu.memory_space<semaphore_mem>>) src(%dma_wait3A_586 : memref<80x128xf32, #tpu.memory_space<hbm>>) dst(%arg13 : memref<80x128xf32, #tpu.memory_space<vmem>>)
        %add3A_587 = arith.constant 1 : i32
        %add3A_588 = arith.addi %add3A_377, %add3A_587 : i32
        %mul3A_589 = arith.constant 80 : i32
        %mul3A_590 = arith.muli %add3A_588, %mul3A_589 : i32
        %dma_start3A_591 = arith.constant 0 : i32
        %dma_start3A_592 = arith.constant 0 : i32
        %dma_start3A_593 = tpu.memref_slice %arg13[%dma_start3A_591, %dma_start3A_592] : memref<80x128xf32, #tpu.memory_space<vmem>> -> memref<80x128xf32, #tpu.memory_space<vmem>>
        %dma_start3A_594 = tpu.memref_slice %arg7[%mul3A_590] : memref<10000xi32, #tpu.memory_space<vmem>> -> memref<80xi32, #tpu.memory_space<vmem>>
        %dma_start3A_595 = arith.constant 0 : i32
        %dma_start3A_596 = arith.constant 0 : i32
        %dma_start3A_597 = tpu.memref_slice %arg6[%dma_start3A_595, %dma_start3A_596] : memref<240x128xf32, #tpu.memory_space<vmem_shared>> -> memref<240x128xf32, #tpu.memory_space<vmem_shared>>
        tpu.enqueue_indirect_dma source(%dma_start3A_597 : memref<240x128xf32, #tpu.memory_space<vmem_shared>>) target(%dma_start3A_593 : memref<80x128xf32, #tpu.memory_space<vmem>>) offsets(%dma_start3A_594 : memref<80xi32, #tpu.memory_space<vmem>>) semaphore(%arg33 : memref<!tpu.dma_semaphore, #tpu.memory_space<semaphore_mem>>) {add = true}
      } else {
      }
      %mul3A_392 = arith.constant 80 : i32
      %mul3A_393 = arith.muli %add3A_377, %mul3A_392 : i32
      %dma_wait3A_394 = arith.constant 0 : i32
      %dma_wait3A_395 = arith.constant 0 : i32
      %dma_wait3A_396 = tpu.memref_slice %arg12[%dma_wait3A_394, %dma_wait3A_395] : memref<80x128xf32, #tpu.memory_space<vmem>> -> memref<80x128xf32, #tpu.memory_space<vmem>>
      %dma_wait3A_397 = tpu.memref_slice %arg7[%mul3A_393] : memref<10000xi32, #tpu.memory_space<vmem>> -> memref<80xi32, #tpu.memory_space<vmem>>
      %dma_wait3A_398 = arith.constant 0 : i32
      %dma_wait3A_399 = arith.constant 0 : i32
      %dma_wait3A_400 = tpu.memref_slice %arg6[%dma_wait3A_398, %dma_wait3A_399] : memref<240x128xf32, #tpu.memory_space<vmem_shared>> -> memref<240x128xf32, #tpu.memory_space<vmem_shared>>
      tpu.wait_indirect_dma semaphore(%arg32 : memref<!tpu.dma_semaphore, #tpu.memory_space<semaphore_mem>>) src(%dma_wait3A_400 : memref<240x128xf32, #tpu.memory_space<vmem_shared>>) dst(%dma_wait3A_396 : memref<80x128xf32, #tpu.memory_space<vmem>>)
      %mul3A_401 = arith.constant 80 : i32
      %mul3A_402 = arith.muli %add3A_377, %mul3A_401 : i32
      %add3A_403 = arith.addi %mul3A_2, %mul3A_402 : i32
      %dma_start3A_404 = arith.constant 0 : i32
      %dma_start3A_405 = tpu.memref_slice %arg5[%add3A_403, %dma_start3A_404] : memref<320000x128xf32, #tpu.memory_space<hbm>> -> memref<80x128xf32, #tpu.memory_space<hbm>>
      %dma_start3A_406 = arith.constant 0 : i32
      %dma_start3A_407 = tpu.memref_slice %arg5[%add3A_403, %dma_start3A_406] : memref<320000x128xf32, #tpu.memory_space<hbm>> -> memref<80x128xf32, #tpu.memory_space<hbm>>
      tpu.enqueue_dma source(%arg12 : memref<80x128xf32, #tpu.memory_space<vmem>>) target(%dma_start3A_407 : memref<80x128xf32, #tpu.memory_space<hbm>>) target_semaphore(%arg42 : memref<!tpu.dma_semaphore, #tpu.memory_space<semaphore_mem>>)
      %mul3A_408 = arith.constant 10 : i32
      %mul3A_409 = arith.muli %scan3A_238, %mul3A_408 : i32
      %add3A_410 = arith.constant 5 : i32
      %add3A_411 = arith.addi %mul3A_409, %add3A_410 : i32
      %add3A_412 = arith.constant 5 : i32
      %add3A_413 = arith.addi %add3A_411, %add3A_412 : i32
      %lt3A_414 = arith.constant 125 : i32
      %lt3A_415 = arith.cmpi slt, %add3A_413, %lt3A_414 : i32
      %convert_element_type3A_416 = arith.extui %lt3A_415 : i1 to i32
      %cond3A_417 = arith.constant 0 : i32
      %cond3A_418 = arith.cmpi ne, %convert_element_type3A_416, %cond3A_417 : i32
      scf.if %cond3A_418 {
        %ge3A = arith.constant 10 : i32
        %ge3A_578 = arith.cmpi sge, %add3A_413, %ge3A : i32
        %convert_element_type3A_579 = arith.extui %ge3A_578 : i1 to i32
        %cond3A_580 = arith.constant 0 : i32
        %cond3A_581 = arith.cmpi ne, %convert_element_type3A_579, %cond3A_580 : i32
        scf.if %cond3A_581 {
          %sub3A = arith.constant 10 : i32
          %sub3A_589 = arith.subi %add3A_413, %sub3A : i32
          %mul3A_590 = arith.constant 80 : i32
          %mul3A_591 = arith.muli %sub3A_589, %mul3A_590 : i32
          %add3A_592 = arith.addi %mul3A_2, %mul3A_591 : i32
          %dma_wait3A_593 = arith.constant 0 : i32
          %dma_wait3A_594 = tpu.memref_slice %arg5[%add3A_592, %dma_wait3A_593] : memref<320000x128xf32, #tpu.memory_space<hbm>> -> memref<80x128xf32, #tpu.memory_space<hbm>>
          %dma_wait3A_595 = arith.constant 0 : i32
          %dma_wait3A_596 = tpu.memref_slice %arg5[%add3A_592, %dma_wait3A_595] : memref<320000x128xf32, #tpu.memory_space<hbm>> -> memref<80x128xf32, #tpu.memory_space<hbm>>
          tpu.wait_dma2 semaphore(%arg38 : memref<!tpu.dma_semaphore, #tpu.memory_space<semaphore_mem>>) src(%arg8 : memref<80x128xf32, #tpu.memory_space<vmem>>) dst(%dma_wait3A_596 : memref<80x128xf32, #tpu.memory_space<hbm>>)
        } else {
        }
        %mul3A_582 = arith.constant 80 : i32
        %mul3A_583 = arith.muli %add3A_413, %mul3A_582 : i32
        %add3A_584 = arith.addi %mul3A_2, %mul3A_583 : i32
        %dma_start3A_585 = arith.constant 0 : i32
        %dma_start3A_586 = tpu.memref_slice %arg2[%add3A_584, %dma_start3A_585] : memref<320000x128xf32, #tpu.memory_space<hbm>> -> memref<80x128xf32, #tpu.memory_space<hbm>>
        %dma_start3A_587 = arith.constant 0 : i32
        %dma_start3A_588 = tpu.memref_slice %arg2[%add3A_584, %dma_start3A_587] : memref<320000x128xf32, #tpu.memory_space<hbm>> -> memref<80x128xf32, #tpu.memory_space<hbm>>
        tpu.enqueue_dma source(%dma_start3A_588 : memref<80x128xf32, #tpu.memory_space<hbm>>) target(%arg8 : memref<80x128xf32, #tpu.memory_space<vmem>>) target_semaphore(%arg18 : memref<!tpu.dma_semaphore, #tpu.memory_space<semaphore_mem>>)
      } else {
      }
      %add3A_419 = arith.constant 1 : i32
      %add3A_420 = arith.addi %add3A_411, %add3A_419 : i32
      %lt3A_421 = arith.constant 125 : i32
      %lt3A_422 = arith.cmpi slt, %add3A_420, %lt3A_421 : i32
      %convert_element_type3A_423 = arith.extui %lt3A_422 : i1 to i32
      %cond3A_424 = arith.constant 0 : i32
      %cond3A_425 = arith.cmpi ne, %convert_element_type3A_423, %cond3A_424 : i32
      scf.if %cond3A_425 {
        %add3A_578 = arith.constant 1 : i32
        %add3A_579 = arith.addi %add3A_411, %add3A_578 : i32
        %mul3A_580 = arith.constant 80 : i32
        %mul3A_581 = arith.muli %add3A_579, %mul3A_580 : i32
        %add3A_582 = arith.addi %mul3A_2, %mul3A_581 : i32
        %dma_wait3A_583 = arith.constant 0 : i32
        %dma_wait3A_584 = tpu.memref_slice %arg2[%add3A_582, %dma_wait3A_583] : memref<320000x128xf32, #tpu.memory_space<hbm>> -> memref<80x128xf32, #tpu.memory_space<hbm>>
        %dma_wait3A_585 = arith.constant 0 : i32
        %dma_wait3A_586 = tpu.memref_slice %arg2[%add3A_582, %dma_wait3A_585] : memref<320000x128xf32, #tpu.memory_space<hbm>> -> memref<80x128xf32, #tpu.memory_space<hbm>>
        tpu.wait_dma2 semaphore(%arg24 : memref<!tpu.dma_semaphore, #tpu.memory_space<semaphore_mem>>) src(%dma_wait3A_586 : memref<80x128xf32, #tpu.memory_space<hbm>>) dst(%arg14 : memref<80x128xf32, #tpu.memory_space<vmem>>)
        %add3A_587 = arith.constant 1 : i32
        %add3A_588 = arith.addi %add3A_411, %add3A_587 : i32
        %mul3A_589 = arith.constant 80 : i32
        %mul3A_590 = arith.muli %add3A_588, %mul3A_589 : i32
        %dma_start3A_591 = arith.constant 0 : i32
        %dma_start3A_592 = arith.constant 0 : i32
        %dma_start3A_593 = tpu.memref_slice %arg14[%dma_start3A_591, %dma_start3A_592] : memref<80x128xf32, #tpu.memory_space<vmem>> -> memref<80x128xf32, #tpu.memory_space<vmem>>
        %dma_start3A_594 = tpu.memref_slice %arg7[%mul3A_590] : memref<10000xi32, #tpu.memory_space<vmem>> -> memref<80xi32, #tpu.memory_space<vmem>>
        %dma_start3A_595 = arith.constant 0 : i32
        %dma_start3A_596 = arith.constant 0 : i32
        %dma_start3A_597 = tpu.memref_slice %arg6[%dma_start3A_595, %dma_start3A_596] : memref<240x128xf32, #tpu.memory_space<vmem_shared>> -> memref<240x128xf32, #tpu.memory_space<vmem_shared>>
        tpu.enqueue_indirect_dma source(%dma_start3A_597 : memref<240x128xf32, #tpu.memory_space<vmem_shared>>) target(%dma_start3A_593 : memref<80x128xf32, #tpu.memory_space<vmem>>) offsets(%dma_start3A_594 : memref<80xi32, #tpu.memory_space<vmem>>) semaphore(%arg34 : memref<!tpu.dma_semaphore, #tpu.memory_space<semaphore_mem>>) {add = true}
      } else {
      }
      %mul3A_426 = arith.constant 80 : i32
      %mul3A_427 = arith.muli %add3A_411, %mul3A_426 : i32
      %dma_wait3A_428 = arith.constant 0 : i32
      %dma_wait3A_429 = arith.constant 0 : i32
      %dma_wait3A_430 = tpu.memref_slice %arg13[%dma_wait3A_428, %dma_wait3A_429] : memref<80x128xf32, #tpu.memory_space<vmem>> -> memref<80x128xf32, #tpu.memory_space<vmem>>
      %dma_wait3A_431 = tpu.memref_slice %arg7[%mul3A_427] : memref<10000xi32, #tpu.memory_space<vmem>> -> memref<80xi32, #tpu.memory_space<vmem>>
      %dma_wait3A_432 = arith.constant 0 : i32
      %dma_wait3A_433 = arith.constant 0 : i32
      %dma_wait3A_434 = tpu.memref_slice %arg6[%dma_wait3A_432, %dma_wait3A_433] : memref<240x128xf32, #tpu.memory_space<vmem_shared>> -> memref<240x128xf32, #tpu.memory_space<vmem_shared>>
      tpu.wait_indirect_dma semaphore(%arg33 : memref<!tpu.dma_semaphore, #tpu.memory_space<semaphore_mem>>) src(%dma_wait3A_434 : memref<240x128xf32, #tpu.memory_space<vmem_shared>>) dst(%dma_wait3A_430 : memref<80x128xf32, #tpu.memory_space<vmem>>)
      %mul3A_435 = arith.constant 80 : i32
      %mul3A_436 = arith.muli %add3A_411, %mul3A_435 : i32
      %add3A_437 = arith.addi %mul3A_2, %mul3A_436 : i32
      %dma_start3A_438 = arith.constant 0 : i32
      %dma_start3A_439 = tpu.memref_slice %arg5[%add3A_437, %dma_start3A_438] : memref<320000x128xf32, #tpu.memory_space<hbm>> -> memref<80x128xf32, #tpu.memory_space<hbm>>
      %dma_start3A_440 = arith.constant 0 : i32
      %dma_start3A_441 = tpu.memref_slice %arg5[%add3A_437, %dma_start3A_440] : memref<320000x128xf32, #tpu.memory_space<hbm>> -> memref<80x128xf32, #tpu.memory_space<hbm>>
      tpu.enqueue_dma source(%arg13 : memref<80x128xf32, #tpu.memory_space<vmem>>) target(%dma_start3A_441 : memref<80x128xf32, #tpu.memory_space<hbm>>) target_semaphore(%arg43 : memref<!tpu.dma_semaphore, #tpu.memory_space<semaphore_mem>>)
      %mul3A_442 = arith.constant 10 : i32
      %mul3A_443 = arith.muli %scan3A_238, %mul3A_442 : i32
      %add3A_444 = arith.constant 6 : i32
      %add3A_445 = arith.addi %mul3A_443, %add3A_444 : i32
      %add3A_446 = arith.constant 5 : i32
      %add3A_447 = arith.addi %add3A_445, %add3A_446 : i32
      %lt3A_448 = arith.constant 125 : i32
      %lt3A_449 = arith.cmpi slt, %add3A_447, %lt3A_448 : i32
      %convert_element_type3A_450 = arith.extui %lt3A_449 : i1 to i32
      %cond3A_451 = arith.constant 0 : i32
      %cond3A_452 = arith.cmpi ne, %convert_element_type3A_450, %cond3A_451 : i32
      scf.if %cond3A_452 {
        %ge3A = arith.constant 10 : i32
        %ge3A_578 = arith.cmpi sge, %add3A_447, %ge3A : i32
        %convert_element_type3A_579 = arith.extui %ge3A_578 : i1 to i32
        %cond3A_580 = arith.constant 0 : i32
        %cond3A_581 = arith.cmpi ne, %convert_element_type3A_579, %cond3A_580 : i32
        scf.if %cond3A_581 {
          %sub3A = arith.constant 10 : i32
          %sub3A_589 = arith.subi %add3A_447, %sub3A : i32
          %mul3A_590 = arith.constant 80 : i32
          %mul3A_591 = arith.muli %sub3A_589, %mul3A_590 : i32
          %add3A_592 = arith.addi %mul3A_2, %mul3A_591 : i32
          %dma_wait3A_593 = arith.constant 0 : i32
          %dma_wait3A_594 = tpu.memref_slice %arg5[%add3A_592, %dma_wait3A_593] : memref<320000x128xf32, #tpu.memory_space<hbm>> -> memref<80x128xf32, #tpu.memory_space<hbm>>
          %dma_wait3A_595 = arith.constant 0 : i32
          %dma_wait3A_596 = tpu.memref_slice %arg5[%add3A_592, %dma_wait3A_595] : memref<320000x128xf32, #tpu.memory_space<hbm>> -> memref<80x128xf32, #tpu.memory_space<hbm>>
          tpu.wait_dma2 semaphore(%arg39 : memref<!tpu.dma_semaphore, #tpu.memory_space<semaphore_mem>>) src(%arg9 : memref<80x128xf32, #tpu.memory_space<vmem>>) dst(%dma_wait3A_596 : memref<80x128xf32, #tpu.memory_space<hbm>>)
        } else {
        }
        %mul3A_582 = arith.constant 80 : i32
        %mul3A_583 = arith.muli %add3A_447, %mul3A_582 : i32
        %add3A_584 = arith.addi %mul3A_2, %mul3A_583 : i32
        %dma_start3A_585 = arith.constant 0 : i32
        %dma_start3A_586 = tpu.memref_slice %arg2[%add3A_584, %dma_start3A_585] : memref<320000x128xf32, #tpu.memory_space<hbm>> -> memref<80x128xf32, #tpu.memory_space<hbm>>
        %dma_start3A_587 = arith.constant 0 : i32
        %dma_start3A_588 = tpu.memref_slice %arg2[%add3A_584, %dma_start3A_587] : memref<320000x128xf32, #tpu.memory_space<hbm>> -> memref<80x128xf32, #tpu.memory_space<hbm>>
        tpu.enqueue_dma source(%dma_start3A_588 : memref<80x128xf32, #tpu.memory_space<hbm>>) target(%arg9 : memref<80x128xf32, #tpu.memory_space<vmem>>) target_semaphore(%arg19 : memref<!tpu.dma_semaphore, #tpu.memory_space<semaphore_mem>>)
      } else {
      }
      %add3A_453 = arith.constant 1 : i32
      %add3A_454 = arith.addi %add3A_445, %add3A_453 : i32
      %lt3A_455 = arith.constant 125 : i32
      %lt3A_456 = arith.cmpi slt, %add3A_454, %lt3A_455 : i32
      %convert_element_type3A_457 = arith.extui %lt3A_456 : i1 to i32
      %cond3A_458 = arith.constant 0 : i32
      %cond3A_459 = arith.cmpi ne, %convert_element_type3A_457, %cond3A_458 : i32
      scf.if %cond3A_459 {
        %add3A_578 = arith.constant 1 : i32
        %add3A_579 = arith.addi %add3A_445, %add3A_578 : i32
        %mul3A_580 = arith.constant 80 : i32
        %mul3A_581 = arith.muli %add3A_579, %mul3A_580 : i32
        %add3A_582 = arith.addi %mul3A_2, %mul3A_581 : i32
        %dma_wait3A_583 = arith.constant 0 : i32
        %dma_wait3A_584 = tpu.memref_slice %arg2[%add3A_582, %dma_wait3A_583] : memref<320000x128xf32, #tpu.memory_space<hbm>> -> memref<80x128xf32, #tpu.memory_space<hbm>>
        %dma_wait3A_585 = arith.constant 0 : i32
        %dma_wait3A_586 = tpu.memref_slice %arg2[%add3A_582, %dma_wait3A_585] : memref<320000x128xf32, #tpu.memory_space<hbm>> -> memref<80x128xf32, #tpu.memory_space<hbm>>
        tpu.wait_dma2 semaphore(%arg25 : memref<!tpu.dma_semaphore, #tpu.memory_space<semaphore_mem>>) src(%dma_wait3A_586 : memref<80x128xf32, #tpu.memory_space<hbm>>) dst(%arg15 : memref<80x128xf32, #tpu.memory_space<vmem>>)
        %add3A_587 = arith.constant 1 : i32
        %add3A_588 = arith.addi %add3A_445, %add3A_587 : i32
        %mul3A_589 = arith.constant 80 : i32
        %mul3A_590 = arith.muli %add3A_588, %mul3A_589 : i32
        %dma_start3A_591 = arith.constant 0 : i32
        %dma_start3A_592 = arith.constant 0 : i32
        %dma_start3A_593 = tpu.memref_slice %arg15[%dma_start3A_591, %dma_start3A_592] : memref<80x128xf32, #tpu.memory_space<vmem>> -> memref<80x128xf32, #tpu.memory_space<vmem>>
        %dma_start3A_594 = tpu.memref_slice %arg7[%mul3A_590] : memref<10000xi32, #tpu.memory_space<vmem>> -> memref<80xi32, #tpu.memory_space<vmem>>
        %dma_start3A_595 = arith.constant 0 : i32
        %dma_start3A_596 = arith.constant 0 : i32
        %dma_start3A_597 = tpu.memref_slice %arg6[%dma_start3A_595, %dma_start3A_596] : memref<240x128xf32, #tpu.memory_space<vmem_shared>> -> memref<240x128xf32, #tpu.memory_space<vmem_shared>>
        tpu.enqueue_indirect_dma source(%dma_start3A_597 : memref<240x128xf32, #tpu.memory_space<vmem_shared>>) target(%dma_start3A_593 : memref<80x128xf32, #tpu.memory_space<vmem>>) offsets(%dma_start3A_594 : memref<80xi32, #tpu.memory_space<vmem>>) semaphore(%arg35 : memref<!tpu.dma_semaphore, #tpu.memory_space<semaphore_mem>>) {add = true}
      } else {
      }
      %mul3A_460 = arith.constant 80 : i32
      %mul3A_461 = arith.muli %add3A_445, %mul3A_460 : i32
      %dma_wait3A_462 = arith.constant 0 : i32
      %dma_wait3A_463 = arith.constant 0 : i32
      %dma_wait3A_464 = tpu.memref_slice %arg14[%dma_wait3A_462, %dma_wait3A_463] : memref<80x128xf32, #tpu.memory_space<vmem>> -> memref<80x128xf32, #tpu.memory_space<vmem>>
      %dma_wait3A_465 = tpu.memref_slice %arg7[%mul3A_461] : memref<10000xi32, #tpu.memory_space<vmem>> -> memref<80xi32, #tpu.memory_space<vmem>>
      %dma_wait3A_466 = arith.constant 0 : i32
      %dma_wait3A_467 = arith.constant 0 : i32
      %dma_wait3A_468 = tpu.memref_slice %arg6[%dma_wait3A_466, %dma_wait3A_467] : memref<240x128xf32, #tpu.memory_space<vmem_shared>> -> memref<240x128xf32, #tpu.memory_space<vmem_shared>>
      tpu.wait_indirect_dma semaphore(%arg34 : memref<!tpu.dma_semaphore, #tpu.memory_space<semaphore_mem>>) src(%dma_wait3A_468 : memref<240x128xf32, #tpu.memory_space<vmem_shared>>) dst(%dma_wait3A_464 : memref<80x128xf32, #tpu.memory_space<vmem>>)
      %mul3A_469 = arith.constant 80 : i32
      %mul3A_470 = arith.muli %add3A_445, %mul3A_469 : i32
      %add3A_471 = arith.addi %mul3A_2, %mul3A_470 : i32
      %dma_start3A_472 = arith.constant 0 : i32
      %dma_start3A_473 = tpu.memref_slice %arg5[%add3A_471, %dma_start3A_472] : memref<320000x128xf32, #tpu.memory_space<hbm>> -> memref<80x128xf32, #tpu.memory_space<hbm>>
      %dma_start3A_474 = arith.constant 0 : i32
      %dma_start3A_475 = tpu.memref_slice %arg5[%add3A_471, %dma_start3A_474] : memref<320000x128xf32, #tpu.memory_space<hbm>> -> memref<80x128xf32, #tpu.memory_space<hbm>>
      tpu.enqueue_dma source(%arg14 : memref<80x128xf32, #tpu.memory_space<vmem>>) target(%dma_start3A_475 : memref<80x128xf32, #tpu.memory_space<hbm>>) target_semaphore(%arg44 : memref<!tpu.dma_semaphore, #tpu.memory_space<semaphore_mem>>)
      %mul3A_476 = arith.constant 10 : i32
      %mul3A_477 = arith.muli %scan3A_238, %mul3A_476 : i32
      %add3A_478 = arith.constant 7 : i32
      %add3A_479 = arith.addi %mul3A_477, %add3A_478 : i32
      %add3A_480 = arith.constant 5 : i32
      %add3A_481 = arith.addi %add3A_479, %add3A_480 : i32
      %lt3A_482 = arith.constant 125 : i32
      %lt3A_483 = arith.cmpi slt, %add3A_481, %lt3A_482 : i32
      %convert_element_type3A_484 = arith.extui %lt3A_483 : i1 to i32
      %cond3A_485 = arith.constant 0 : i32
      %cond3A_486 = arith.cmpi ne, %convert_element_type3A_484, %cond3A_485 : i32
      scf.if %cond3A_486 {
        %ge3A = arith.constant 10 : i32
        %ge3A_578 = arith.cmpi sge, %add3A_481, %ge3A : i32
        %convert_element_type3A_579 = arith.extui %ge3A_578 : i1 to i32
        %cond3A_580 = arith.constant 0 : i32
        %cond3A_581 = arith.cmpi ne, %convert_element_type3A_579, %cond3A_580 : i32
        scf.if %cond3A_581 {
          %sub3A = arith.constant 10 : i32
          %sub3A_589 = arith.subi %add3A_481, %sub3A : i32
          %mul3A_590 = arith.constant 80 : i32
          %mul3A_591 = arith.muli %sub3A_589, %mul3A_590 : i32
          %add3A_592 = arith.addi %mul3A_2, %mul3A_591 : i32
          %dma_wait3A_593 = arith.constant 0 : i32
          %dma_wait3A_594 = tpu.memref_slice %arg5[%add3A_592, %dma_wait3A_593] : memref<320000x128xf32, #tpu.memory_space<hbm>> -> memref<80x128xf32, #tpu.memory_space<hbm>>
          %dma_wait3A_595 = arith.constant 0 : i32
          %dma_wait3A_596 = tpu.memref_slice %arg5[%add3A_592, %dma_wait3A_595] : memref<320000x128xf32, #tpu.memory_space<hbm>> -> memref<80x128xf32, #tpu.memory_space<hbm>>
          tpu.wait_dma2 semaphore(%arg40 : memref<!tpu.dma_semaphore, #tpu.memory_space<semaphore_mem>>) src(%arg10 : memref<80x128xf32, #tpu.memory_space<vmem>>) dst(%dma_wait3A_596 : memref<80x128xf32, #tpu.memory_space<hbm>>)
        } else {
        }
        %mul3A_582 = arith.constant 80 : i32
        %mul3A_583 = arith.muli %add3A_481, %mul3A_582 : i32
        %add3A_584 = arith.addi %mul3A_2, %mul3A_583 : i32
        %dma_start3A_585 = arith.constant 0 : i32
        %dma_start3A_586 = tpu.memref_slice %arg2[%add3A_584, %dma_start3A_585] : memref<320000x128xf32, #tpu.memory_space<hbm>> -> memref<80x128xf32, #tpu.memory_space<hbm>>
        %dma_start3A_587 = arith.constant 0 : i32
        %dma_start3A_588 = tpu.memref_slice %arg2[%add3A_584, %dma_start3A_587] : memref<320000x128xf32, #tpu.memory_space<hbm>> -> memref<80x128xf32, #tpu.memory_space<hbm>>
        tpu.enqueue_dma source(%dma_start3A_588 : memref<80x128xf32, #tpu.memory_space<hbm>>) target(%arg10 : memref<80x128xf32, #tpu.memory_space<vmem>>) target_semaphore(%arg20 : memref<!tpu.dma_semaphore, #tpu.memory_space<semaphore_mem>>)
      } else {
      }
      %add3A_487 = arith.constant 1 : i32
      %add3A_488 = arith.addi %add3A_479, %add3A_487 : i32
      %lt3A_489 = arith.constant 125 : i32
      %lt3A_490 = arith.cmpi slt, %add3A_488, %lt3A_489 : i32
      %convert_element_type3A_491 = arith.extui %lt3A_490 : i1 to i32
      %cond3A_492 = arith.constant 0 : i32
      %cond3A_493 = arith.cmpi ne, %convert_element_type3A_491, %cond3A_492 : i32
      scf.if %cond3A_493 {
        %add3A_578 = arith.constant 1 : i32
        %add3A_579 = arith.addi %add3A_479, %add3A_578 : i32
        %mul3A_580 = arith.constant 80 : i32
        %mul3A_581 = arith.muli %add3A_579, %mul3A_580 : i32
        %add3A_582 = arith.addi %mul3A_2, %mul3A_581 : i32
        %dma_wait3A_583 = arith.constant 0 : i32
        %dma_wait3A_584 = tpu.memref_slice %arg2[%add3A_582, %dma_wait3A_583] : memref<320000x128xf32, #tpu.memory_space<hbm>> -> memref<80x128xf32, #tpu.memory_space<hbm>>
        %dma_wait3A_585 = arith.constant 0 : i32
        %dma_wait3A_586 = tpu.memref_slice %arg2[%add3A_582, %dma_wait3A_585] : memref<320000x128xf32, #tpu.memory_space<hbm>> -> memref<80x128xf32, #tpu.memory_space<hbm>>
        tpu.wait_dma2 semaphore(%arg26 : memref<!tpu.dma_semaphore, #tpu.memory_space<semaphore_mem>>) src(%dma_wait3A_586 : memref<80x128xf32, #tpu.memory_space<hbm>>) dst(%arg16 : memref<80x128xf32, #tpu.memory_space<vmem>>)
        %add3A_587 = arith.constant 1 : i32
        %add3A_588 = arith.addi %add3A_479, %add3A_587 : i32
        %mul3A_589 = arith.constant 80 : i32
        %mul3A_590 = arith.muli %add3A_588, %mul3A_589 : i32
        %dma_start3A_591 = arith.constant 0 : i32
        %dma_start3A_592 = arith.constant 0 : i32
        %dma_start3A_593 = tpu.memref_slice %arg16[%dma_start3A_591, %dma_start3A_592] : memref<80x128xf32, #tpu.memory_space<vmem>> -> memref<80x128xf32, #tpu.memory_space<vmem>>
        %dma_start3A_594 = tpu.memref_slice %arg7[%mul3A_590] : memref<10000xi32, #tpu.memory_space<vmem>> -> memref<80xi32, #tpu.memory_space<vmem>>
        %dma_start3A_595 = arith.constant 0 : i32
        %dma_start3A_596 = arith.constant 0 : i32
        %dma_start3A_597 = tpu.memref_slice %arg6[%dma_start3A_595, %dma_start3A_596] : memref<240x128xf32, #tpu.memory_space<vmem_shared>> -> memref<240x128xf32, #tpu.memory_space<vmem_shared>>
        tpu.enqueue_indirect_dma source(%dma_start3A_597 : memref<240x128xf32, #tpu.memory_space<vmem_shared>>) target(%dma_start3A_593 : memref<80x128xf32, #tpu.memory_space<vmem>>) offsets(%dma_start3A_594 : memref<80xi32, #tpu.memory_space<vmem>>) semaphore(%arg36 : memref<!tpu.dma_semaphore, #tpu.memory_space<semaphore_mem>>) {add = true}
      } else {
      }
      %mul3A_494 = arith.constant 80 : i32
      %mul3A_495 = arith.muli %add3A_479, %mul3A_494 : i32
      %dma_wait3A_496 = arith.constant 0 : i32
      %dma_wait3A_497 = arith.constant 0 : i32
      %dma_wait3A_498 = tpu.memref_slice %arg15[%dma_wait3A_496, %dma_wait3A_497] : memref<80x128xf32, #tpu.memory_space<vmem>> -> memref<80x128xf32, #tpu.memory_space<vmem>>
      %dma_wait3A_499 = tpu.memref_slice %arg7[%mul3A_495] : memref<10000xi32, #tpu.memory_space<vmem>> -> memref<80xi32, #tpu.memory_space<vmem>>
      %dma_wait3A_500 = arith.constant 0 : i32
      %dma_wait3A_501 = arith.constant 0 : i32
      %dma_wait3A_502 = tpu.memref_slice %arg6[%dma_wait3A_500, %dma_wait3A_501] : memref<240x128xf32, #tpu.memory_space<vmem_shared>> -> memref<240x128xf32, #tpu.memory_space<vmem_shared>>
      tpu.wait_indirect_dma semaphore(%arg35 : memref<!tpu.dma_semaphore, #tpu.memory_space<semaphore_mem>>) src(%dma_wait3A_502 : memref<240x128xf32, #tpu.memory_space<vmem_shared>>) dst(%dma_wait3A_498 : memref<80x128xf32, #tpu.memory_space<vmem>>)
      %mul3A_503 = arith.constant 80 : i32
      %mul3A_504 = arith.muli %add3A_479, %mul3A_503 : i32
      %add3A_505 = arith.addi %mul3A_2, %mul3A_504 : i32
      %dma_start3A_506 = arith.constant 0 : i32
      %dma_start3A_507 = tpu.memref_slice %arg5[%add3A_505, %dma_start3A_506] : memref<320000x128xf32, #tpu.memory_space<hbm>> -> memref<80x128xf32, #tpu.memory_space<hbm>>
      %dma_start3A_508 = arith.constant 0 : i32
      %dma_start3A_509 = tpu.memref_slice %arg5[%add3A_505, %dma_start3A_508] : memref<320000x128xf32, #tpu.memory_space<hbm>> -> memref<80x128xf32, #tpu.memory_space<hbm>>
      tpu.enqueue_dma source(%arg15 : memref<80x128xf32, #tpu.memory_space<vmem>>) target(%dma_start3A_509 : memref<80x128xf32, #tpu.memory_space<hbm>>) target_semaphore(%arg45 : memref<!tpu.dma_semaphore, #tpu.memory_space<semaphore_mem>>)
      %mul3A_510 = arith.constant 10 : i32
      %mul3A_511 = arith.muli %scan3A_238, %mul3A_510 : i32
      %add3A_512 = arith.constant 8 : i32
      %add3A_513 = arith.addi %mul3A_511, %add3A_512 : i32
      %add3A_514 = arith.constant 5 : i32
      %add3A_515 = arith.addi %add3A_513, %add3A_514 : i32
      %lt3A_516 = arith.constant 125 : i32
      %lt3A_517 = arith.cmpi slt, %add3A_515, %lt3A_516 : i32
      %convert_element_type3A_518 = arith.extui %lt3A_517 : i1 to i32
      %cond3A_519 = arith.constant 0 : i32
      %cond3A_520 = arith.cmpi ne, %convert_element_type3A_518, %cond3A_519 : i32
      scf.if %cond3A_520 {
        %ge3A = arith.constant 10 : i32
        %ge3A_578 = arith.cmpi sge, %add3A_515, %ge3A : i32
        %convert_element_type3A_579 = arith.extui %ge3A_578 : i1 to i32
        %cond3A_580 = arith.constant 0 : i32
        %cond3A_581 = arith.cmpi ne, %convert_element_type3A_579, %cond3A_580 : i32
        scf.if %cond3A_581 {
          %sub3A = arith.constant 10 : i32
          %sub3A_589 = arith.subi %add3A_515, %sub3A : i32
          %mul3A_590 = arith.constant 80 : i32
          %mul3A_591 = arith.muli %sub3A_589, %mul3A_590 : i32
          %add3A_592 = arith.addi %mul3A_2, %mul3A_591 : i32
          %dma_wait3A_593 = arith.constant 0 : i32
          %dma_wait3A_594 = tpu.memref_slice %arg5[%add3A_592, %dma_wait3A_593] : memref<320000x128xf32, #tpu.memory_space<hbm>> -> memref<80x128xf32, #tpu.memory_space<hbm>>
          %dma_wait3A_595 = arith.constant 0 : i32
          %dma_wait3A_596 = tpu.memref_slice %arg5[%add3A_592, %dma_wait3A_595] : memref<320000x128xf32, #tpu.memory_space<hbm>> -> memref<80x128xf32, #tpu.memory_space<hbm>>
          tpu.wait_dma2 semaphore(%arg41 : memref<!tpu.dma_semaphore, #tpu.memory_space<semaphore_mem>>) src(%arg11 : memref<80x128xf32, #tpu.memory_space<vmem>>) dst(%dma_wait3A_596 : memref<80x128xf32, #tpu.memory_space<hbm>>)
        } else {
        }
        %mul3A_582 = arith.constant 80 : i32
        %mul3A_583 = arith.muli %add3A_515, %mul3A_582 : i32
        %add3A_584 = arith.addi %mul3A_2, %mul3A_583 : i32
        %dma_start3A_585 = arith.constant 0 : i32
        %dma_start3A_586 = tpu.memref_slice %arg2[%add3A_584, %dma_start3A_585] : memref<320000x128xf32, #tpu.memory_space<hbm>> -> memref<80x128xf32, #tpu.memory_space<hbm>>
        %dma_start3A_587 = arith.constant 0 : i32
        %dma_start3A_588 = tpu.memref_slice %arg2[%add3A_584, %dma_start3A_587] : memref<320000x128xf32, #tpu.memory_space<hbm>> -> memref<80x128xf32, #tpu.memory_space<hbm>>
        tpu.enqueue_dma source(%dma_start3A_588 : memref<80x128xf32, #tpu.memory_space<hbm>>) target(%arg11 : memref<80x128xf32, #tpu.memory_space<vmem>>) target_semaphore(%arg21 : memref<!tpu.dma_semaphore, #tpu.memory_space<semaphore_mem>>)
      } else {
      }
      %add3A_521 = arith.constant 1 : i32
      %add3A_522 = arith.addi %add3A_513, %add3A_521 : i32
      %lt3A_523 = arith.constant 125 : i32
      %lt3A_524 = arith.cmpi slt, %add3A_522, %lt3A_523 : i32
      %convert_element_type3A_525 = arith.extui %lt3A_524 : i1 to i32
      %cond3A_526 = arith.constant 0 : i32
      %cond3A_527 = arith.cmpi ne, %convert_element_type3A_525, %cond3A_526 : i32
      scf.if %cond3A_527 {
        %add3A_578 = arith.constant 1 : i32
        %add3A_579 = arith.addi %add3A_513, %add3A_578 : i32
        %mul3A_580 = arith.constant 80 : i32
        %mul3A_581 = arith.muli %add3A_579, %mul3A_580 : i32
        %add3A_582 = arith.addi %mul3A_2, %mul3A_581 : i32
        %dma_wait3A_583 = arith.constant 0 : i32
        %dma_wait3A_584 = tpu.memref_slice %arg2[%add3A_582, %dma_wait3A_583] : memref<320000x128xf32, #tpu.memory_space<hbm>> -> memref<80x128xf32, #tpu.memory_space<hbm>>
        %dma_wait3A_585 = arith.constant 0 : i32
        %dma_wait3A_586 = tpu.memref_slice %arg2[%add3A_582, %dma_wait3A_585] : memref<320000x128xf32, #tpu.memory_space<hbm>> -> memref<80x128xf32, #tpu.memory_space<hbm>>
        tpu.wait_dma2 semaphore(%arg27 : memref<!tpu.dma_semaphore, #tpu.memory_space<semaphore_mem>>) src(%dma_wait3A_586 : memref<80x128xf32, #tpu.memory_space<hbm>>) dst(%arg17 : memref<80x128xf32, #tpu.memory_space<vmem>>)
        %add3A_587 = arith.constant 1 : i32
        %add3A_588 = arith.addi %add3A_513, %add3A_587 : i32
        %mul3A_589 = arith.constant 80 : i32
        %mul3A_590 = arith.muli %add3A_588, %mul3A_589 : i32
        %dma_start3A_591 = arith.constant 0 : i32
        %dma_start3A_592 = arith.constant 0 : i32
        %dma_start3A_593 = tpu.memref_slice %arg17[%dma_start3A_591, %dma_start3A_592] : memref<80x128xf32, #tpu.memory_space<vmem>> -> memref<80x128xf32, #tpu.memory_space<vmem>>
        %dma_start3A_594 = tpu.memref_slice %arg7[%mul3A_590] : memref<10000xi32, #tpu.memory_space<vmem>> -> memref<80xi32, #tpu.memory_space<vmem>>
        %dma_start3A_595 = arith.constant 0 : i32
        %dma_start3A_596 = arith.constant 0 : i32
        %dma_start3A_597 = tpu.memref_slice %arg6[%dma_start3A_595, %dma_start3A_596] : memref<240x128xf32, #tpu.memory_space<vmem_shared>> -> memref<240x128xf32, #tpu.memory_space<vmem_shared>>
        tpu.enqueue_indirect_dma source(%dma_start3A_597 : memref<240x128xf32, #tpu.memory_space<vmem_shared>>) target(%dma_start3A_593 : memref<80x128xf32, #tpu.memory_space<vmem>>) offsets(%dma_start3A_594 : memref<80xi32, #tpu.memory_space<vmem>>) semaphore(%arg37 : memref<!tpu.dma_semaphore, #tpu.memory_space<semaphore_mem>>) {add = true}
      } else {
      }
      %mul3A_528 = arith.constant 80 : i32
      %mul3A_529 = arith.muli %add3A_513, %mul3A_528 : i32
      %dma_wait3A_530 = arith.constant 0 : i32
      %dma_wait3A_531 = arith.constant 0 : i32
      %dma_wait3A_532 = tpu.memref_slice %arg16[%dma_wait3A_530, %dma_wait3A_531] : memref<80x128xf32, #tpu.memory_space<vmem>> -> memref<80x128xf32, #tpu.memory_space<vmem>>
      %dma_wait3A_533 = tpu.memref_slice %arg7[%mul3A_529] : memref<10000xi32, #tpu.memory_space<vmem>> -> memref<80xi32, #tpu.memory_space<vmem>>
      %dma_wait3A_534 = arith.constant 0 : i32
      %dma_wait3A_535 = arith.constant 0 : i32
      %dma_wait3A_536 = tpu.memref_slice %arg6[%dma_wait3A_534, %dma_wait3A_535] : memref<240x128xf32, #tpu.memory_space<vmem_shared>> -> memref<240x128xf32, #tpu.memory_space<vmem_shared>>
      tpu.wait_indirect_dma semaphore(%arg36 : memref<!tpu.dma_semaphore, #tpu.memory_space<semaphore_mem>>) src(%dma_wait3A_536 : memref<240x128xf32, #tpu.memory_space<vmem_shared>>) dst(%dma_wait3A_532 : memref<80x128xf32, #tpu.memory_space<vmem>>)
      %mul3A_537 = arith.constant 80 : i32
      %mul3A_538 = arith.muli %add3A_513, %mul3A_537 : i32
      %add3A_539 = arith.addi %mul3A_2, %mul3A_538 : i32
      %dma_start3A_540 = arith.constant 0 : i32
      %dma_start3A_541 = tpu.memref_slice %arg5[%add3A_539, %dma_start3A_540] : memref<320000x128xf32, #tpu.memory_space<hbm>> -> memref<80x128xf32, #tpu.memory_space<hbm>>
      %dma_start3A_542 = arith.constant 0 : i32
      %dma_start3A_543 = tpu.memref_slice %arg5[%add3A_539, %dma_start3A_542] : memref<320000x128xf32, #tpu.memory_space<hbm>> -> memref<80x128xf32, #tpu.memory_space<hbm>>
      tpu.enqueue_dma source(%arg16 : memref<80x128xf32, #tpu.memory_space<vmem>>) target(%dma_start3A_543 : memref<80x128xf32, #tpu.memory_space<hbm>>) target_semaphore(%arg46 : memref<!tpu.dma_semaphore, #tpu.memory_space<semaphore_mem>>)
      %mul3A_544 = arith.constant 10 : i32
      %mul3A_545 = arith.muli %scan3A_238, %mul3A_544 : i32
      %add3A_546 = arith.constant 9 : i32
      %add3A_547 = arith.addi %mul3A_545, %add3A_546 : i32
      %add3A_548 = arith.constant 5 : i32
      %add3A_549 = arith.addi %add3A_547, %add3A_548 : i32
      %lt3A_550 = arith.constant 125 : i32
      %lt3A_551 = arith.cmpi slt, %add3A_549, %lt3A_550 : i32
      %convert_element_type3A_552 = arith.extui %lt3A_551 : i1 to i32
      %cond3A_553 = arith.constant 0 : i32
      %cond3A_554 = arith.cmpi ne, %convert_element_type3A_552, %cond3A_553 : i32
      scf.if %cond3A_554 {
        %ge3A = arith.constant 10 : i32
        %ge3A_578 = arith.cmpi sge, %add3A_549, %ge3A : i32
        %convert_element_type3A_579 = arith.extui %ge3A_578 : i1 to i32
        %cond3A_580 = arith.constant 0 : i32
        %cond3A_581 = arith.cmpi ne, %convert_element_type3A_579, %cond3A_580 : i32
        scf.if %cond3A_581 {
          %sub3A = arith.constant 10 : i32
          %sub3A_589 = arith.subi %add3A_549, %sub3A : i32
          %mul3A_590 = arith.constant 80 : i32
          %mul3A_591 = arith.muli %sub3A_589, %mul3A_590 : i32
          %add3A_592 = arith.addi %mul3A_2, %mul3A_591 : i32
          %dma_wait3A_593 = arith.constant 0 : i32
          %dma_wait3A_594 = tpu.memref_slice %arg5[%add3A_592, %dma_wait3A_593] : memref<320000x128xf32, #tpu.memory_space<hbm>> -> memref<80x128xf32, #tpu.memory_space<hbm>>
          %dma_wait3A_595 = arith.constant 0 : i32
          %dma_wait3A_596 = tpu.memref_slice %arg5[%add3A_592, %dma_wait3A_595] : memref<320000x128xf32, #tpu.memory_space<hbm>> -> memref<80x128xf32, #tpu.memory_space<hbm>>
          tpu.wait_dma2 semaphore(%arg42 : memref<!tpu.dma_semaphore, #tpu.memory_space<semaphore_mem>>) src(%arg12 : memref<80x128xf32, #tpu.memory_space<vmem>>) dst(%dma_wait3A_596 : memref<80x128xf32, #tpu.memory_space<hbm>>)
        } else {
        }
        %mul3A_582 = arith.constant 80 : i32
        %mul3A_583 = arith.muli %add3A_549, %mul3A_582 : i32
        %add3A_584 = arith.addi %mul3A_2, %mul3A_583 : i32
        %dma_start3A_585 = arith.constant 0 : i32
        %dma_start3A_586 = tpu.memref_slice %arg2[%add3A_584, %dma_start3A_585] : memref<320000x128xf32, #tpu.memory_space<hbm>> -> memref<80x128xf32, #tpu.memory_space<hbm>>
        %dma_start3A_587 = arith.constant 0 : i32
        %dma_start3A_588 = tpu.memref_slice %arg2[%add3A_584, %dma_start3A_587] : memref<320000x128xf32, #tpu.memory_space<hbm>> -> memref<80x128xf32, #tpu.memory_space<hbm>>
        tpu.enqueue_dma source(%dma_start3A_588 : memref<80x128xf32, #tpu.memory_space<hbm>>) target(%arg12 : memref<80x128xf32, #tpu.memory_space<vmem>>) target_semaphore(%arg22 : memref<!tpu.dma_semaphore, #tpu.memory_space<semaphore_mem>>)
      } else {
      }
      %add3A_555 = arith.constant 1 : i32
      %add3A_556 = arith.addi %add3A_547, %add3A_555 : i32
      %lt3A_557 = arith.constant 125 : i32
      %lt3A_558 = arith.cmpi slt, %add3A_556, %lt3A_557 : i32
      %convert_element_type3A_559 = arith.extui %lt3A_558 : i1 to i32
      %cond3A_560 = arith.constant 0 : i32
      %cond3A_561 = arith.cmpi ne, %convert_element_type3A_559, %cond3A_560 : i32
      scf.if %cond3A_561 {
        %add3A_578 = arith.constant 1 : i32
        %add3A_579 = arith.addi %add3A_547, %add3A_578 : i32
        %mul3A_580 = arith.constant 80 : i32
        %mul3A_581 = arith.muli %add3A_579, %mul3A_580 : i32
        %add3A_582 = arith.addi %mul3A_2, %mul3A_581 : i32
        %dma_wait3A_583 = arith.constant 0 : i32
        %dma_wait3A_584 = tpu.memref_slice %arg2[%add3A_582, %dma_wait3A_583] : memref<320000x128xf32, #tpu.memory_space<hbm>> -> memref<80x128xf32, #tpu.memory_space<hbm>>
        %dma_wait3A_585 = arith.constant 0 : i32
        %dma_wait3A_586 = tpu.memref_slice %arg2[%add3A_582, %dma_wait3A_585] : memref<320000x128xf32, #tpu.memory_space<hbm>> -> memref<80x128xf32, #tpu.memory_space<hbm>>
        tpu.wait_dma2 semaphore(%arg18 : memref<!tpu.dma_semaphore, #tpu.memory_space<semaphore_mem>>) src(%dma_wait3A_586 : memref<80x128xf32, #tpu.memory_space<hbm>>) dst(%arg8 : memref<80x128xf32, #tpu.memory_space<vmem>>)
        %add3A_587 = arith.constant 1 : i32
        %add3A_588 = arith.addi %add3A_547, %add3A_587 : i32
        %mul3A_589 = arith.constant 80 : i32
        %mul3A_590 = arith.muli %add3A_588, %mul3A_589 : i32
        %dma_start3A_591 = arith.constant 0 : i32
        %dma_start3A_592 = arith.constant 0 : i32
        %dma_start3A_593 = tpu.memref_slice %arg8[%dma_start3A_591, %dma_start3A_592] : memref<80x128xf32, #tpu.memory_space<vmem>> -> memref<80x128xf32, #tpu.memory_space<vmem>>
        %dma_start3A_594 = tpu.memref_slice %arg7[%mul3A_590] : memref<10000xi32, #tpu.memory_space<vmem>> -> memref<80xi32, #tpu.memory_space<vmem>>
        %dma_start3A_595 = arith.constant 0 : i32
        %dma_start3A_596 = arith.constant 0 : i32
        %dma_start3A_597 = tpu.memref_slice %arg6[%dma_start3A_595, %dma_start3A_596] : memref<240x128xf32, #tpu.memory_space<vmem_shared>> -> memref<240x128xf32, #tpu.memory_space<vmem_shared>>
        tpu.enqueue_indirect_dma source(%dma_start3A_597 : memref<240x128xf32, #tpu.memory_space<vmem_shared>>) target(%dma_start3A_593 : memref<80x128xf32, #tpu.memory_space<vmem>>) offsets(%dma_start3A_594 : memref<80xi32, #tpu.memory_space<vmem>>) semaphore(%arg28 : memref<!tpu.dma_semaphore, #tpu.memory_space<semaphore_mem>>) {add = true}
      } else {
      }
      %mul3A_562 = arith.constant 80 : i32
      %mul3A_563 = arith.muli %add3A_547, %mul3A_562 : i32
      %dma_wait3A_564 = arith.constant 0 : i32
      %dma_wait3A_565 = arith.constant 0 : i32
      %dma_wait3A_566 = tpu.memref_slice %arg17[%dma_wait3A_564, %dma_wait3A_565] : memref<80x128xf32, #tpu.memory_space<vmem>> -> memref<80x128xf32, #tpu.memory_space<vmem>>
      %dma_wait3A_567 = tpu.memref_slice %arg7[%mul3A_563] : memref<10000xi32, #tpu.memory_space<vmem>> -> memref<80xi32, #tpu.memory_space<vmem>>
      %dma_wait3A_568 = arith.constant 0 : i32
      %dma_wait3A_569 = arith.constant 0 : i32
      %dma_wait3A_570 = tpu.memref_slice %arg6[%dma_wait3A_568, %dma_wait3A_569] : memref<240x128xf32, #tpu.memory_space<vmem_shared>> -> memref<240x128xf32, #tpu.memory_space<vmem_shared>>
      tpu.wait_indirect_dma semaphore(%arg37 : memref<!tpu.dma_semaphore, #tpu.memory_space<semaphore_mem>>) src(%dma_wait3A_570 : memref<240x128xf32, #tpu.memory_space<vmem_shared>>) dst(%dma_wait3A_566 : memref<80x128xf32, #tpu.memory_space<vmem>>)
      %mul3A_571 = arith.constant 80 : i32
      %mul3A_572 = arith.muli %add3A_547, %mul3A_571 : i32
      %add3A_573 = arith.addi %mul3A_2, %mul3A_572 : i32
      %dma_start3A_574 = arith.constant 0 : i32
      %dma_start3A_575 = tpu.memref_slice %arg5[%add3A_573, %dma_start3A_574] : memref<320000x128xf32, #tpu.memory_space<hbm>> -> memref<80x128xf32, #tpu.memory_space<hbm>>
      %dma_start3A_576 = arith.constant 0 : i32
      %dma_start3A_577 = tpu.memref_slice %arg5[%add3A_573, %dma_start3A_576] : memref<320000x128xf32, #tpu.memory_space<hbm>> -> memref<80x128xf32, #tpu.memory_space<hbm>>
      tpu.enqueue_dma source(%arg17 : memref<80x128xf32, #tpu.memory_space<vmem>>) target(%dma_start3A_577 : memref<80x128xf32, #tpu.memory_space<hbm>>) target_semaphore(%arg47 : memref<!tpu.dma_semaphore, #tpu.memory_space<semaphore_mem>>)
    }
    %scan3A_51 = arith.constant 12 : i32
    %add3A_52 = arith.constant 9680 : i32
    %add3A_53 = arith.addi %mul3A_2, %add3A_52 : i32
    %dma_wait3A_54 = arith.constant 0 : i32
    %dma_wait3A_55 = tpu.memref_slice %arg2[%add3A_53, %dma_wait3A_54] : memref<320000x128xf32, #tpu.memory_space<hbm>> -> memref<80x128xf32, #tpu.memory_space<hbm>>
    %dma_wait3A_56 = arith.constant 0 : i32
    %dma_wait3A_57 = tpu.memref_slice %arg2[%add3A_53, %dma_wait3A_56] : memref<320000x128xf32, #tpu.memory_space<hbm>> -> memref<80x128xf32, #tpu.memory_space<hbm>>
    tpu.wait_dma2 semaphore(%arg19 : memref<!tpu.dma_semaphore, #tpu.memory_space<semaphore_mem>>) src(%dma_wait3A_57 : memref<80x128xf32, #tpu.memory_space<hbm>>) dst(%arg9 : memref<80x128xf32, #tpu.memory_space<vmem>>)
    %dma_start3A_58 = arith.constant 0 : i32
    %dma_start3A_59 = arith.constant 0 : i32
    %dma_start3A_60 = tpu.memref_slice %arg9[%dma_start3A_58, %dma_start3A_59] : memref<80x128xf32, #tpu.memory_space<vmem>> -> memref<80x128xf32, #tpu.memory_space<vmem>>
    %dma_start3A_61 = arith.constant 9680 : i32
    %dma_start3A_62 = tpu.memref_slice %arg7[%dma_start3A_61] : memref<10000xi32, #tpu.memory_space<vmem>> -> memref<80xi32, #tpu.memory_space<vmem>>
    %dma_start3A_63 = arith.constant 0 : i32
    %dma_start3A_64 = arith.constant 0 : i32
    %dma_start3A_65 = tpu.memref_slice %arg6[%dma_start3A_63, %dma_start3A_64] : memref<240x128xf32, #tpu.memory_space<vmem_shared>> -> memref<240x128xf32, #tpu.memory_space<vmem_shared>>
    tpu.enqueue_indirect_dma source(%dma_start3A_65 : memref<240x128xf32, #tpu.memory_space<vmem_shared>>) target(%dma_start3A_60 : memref<80x128xf32, #tpu.memory_space<vmem>>) offsets(%dma_start3A_62 : memref<80xi32, #tpu.memory_space<vmem>>) semaphore(%arg29 : memref<!tpu.dma_semaphore, #tpu.memory_space<semaphore_mem>>) {add = true}
    %dma_wait3A_66 = arith.constant 0 : i32
    %dma_wait3A_67 = arith.constant 0 : i32
    %dma_wait3A_68 = tpu.memref_slice %arg8[%dma_wait3A_66, %dma_wait3A_67] : memref<80x128xf32, #tpu.memory_space<vmem>> -> memref<80x128xf32, #tpu.memory_space<vmem>>
    %dma_wait3A_69 = arith.constant 9600 : i32
    %dma_wait3A_70 = tpu.memref_slice %arg7[%dma_wait3A_69] : memref<10000xi32, #tpu.memory_space<vmem>> -> memref<80xi32, #tpu.memory_space<vmem>>
    %dma_wait3A_71 = arith.constant 0 : i32
    %dma_wait3A_72 = arith.constant 0 : i32
    %dma_wait3A_73 = tpu.memref_slice %arg6[%dma_wait3A_71, %dma_wait3A_72] : memref<240x128xf32, #tpu.memory_space<vmem_shared>> -> memref<240x128xf32, #tpu.memory_space<vmem_shared>>
    tpu.wait_indirect_dma semaphore(%arg28 : memref<!tpu.dma_semaphore, #tpu.memory_space<semaphore_mem>>) src(%dma_wait3A_73 : memref<240x128xf32, #tpu.memory_space<vmem_shared>>) dst(%dma_wait3A_68 : memref<80x128xf32, #tpu.memory_space<vmem>>)
    %add3A_74 = arith.constant 9600 : i32
    %add3A_75 = arith.addi %mul3A_2, %add3A_74 : i32
    %dma_start3A_76 = arith.constant 0 : i32
    %dma_start3A_77 = tpu.memref_slice %arg5[%add3A_75, %dma_start3A_76] : memref<320000x128xf32, #tpu.memory_space<hbm>> -> memref<80x128xf32, #tpu.memory_space<hbm>>
    %dma_start3A_78 = arith.constant 0 : i32
    %dma_start3A_79 = tpu.memref_slice %arg5[%add3A_75, %dma_start3A_78] : memref<320000x128xf32, #tpu.memory_space<hbm>> -> memref<80x128xf32, #tpu.memory_space<hbm>>
    tpu.enqueue_dma source(%arg8 : memref<80x128xf32, #tpu.memory_space<vmem>>) target(%dma_start3A_79 : memref<80x128xf32, #tpu.memory_space<hbm>>) target_semaphore(%arg38 : memref<!tpu.dma_semaphore, #tpu.memory_space<semaphore_mem>>)
    %add3A_80 = arith.constant 9760 : i32
    %add3A_81 = arith.addi %mul3A_2, %add3A_80 : i32
    %dma_wait3A_82 = arith.constant 0 : i32
    %dma_wait3A_83 = tpu.memref_slice %arg2[%add3A_81, %dma_wait3A_82] : memref<320000x128xf32, #tpu.memory_space<hbm>> -> memref<80x128xf32, #tpu.memory_space<hbm>>
    %dma_wait3A_84 = arith.constant 0 : i32
    %dma_wait3A_85 = tpu.memref_slice %arg2[%add3A_81, %dma_wait3A_84] : memref<320000x128xf32, #tpu.memory_space<hbm>> -> memref<80x128xf32, #tpu.memory_space<hbm>>
    tpu.wait_dma2 semaphore(%arg20 : memref<!tpu.dma_semaphore, #tpu.memory_space<semaphore_mem>>) src(%dma_wait3A_85 : memref<80x128xf32, #tpu.memory_space<hbm>>) dst(%arg10 : memref<80x128xf32, #tpu.memory_space<vmem>>)
    %dma_start3A_86 = arith.constant 0 : i32
    %dma_start3A_87 = arith.constant 0 : i32
    %dma_start3A_88 = tpu.memref_slice %arg10[%dma_start3A_86, %dma_start3A_87] : memref<80x128xf32, #tpu.memory_space<vmem>> -> memref<80x128xf32, #tpu.memory_space<vmem>>
    %dma_start3A_89 = arith.constant 9760 : i32
    %dma_start3A_90 = tpu.memref_slice %arg7[%dma_start3A_89] : memref<10000xi32, #tpu.memory_space<vmem>> -> memref<80xi32, #tpu.memory_space<vmem>>
    %dma_start3A_91 = arith.constant 0 : i32
    %dma_start3A_92 = arith.constant 0 : i32
    %dma_start3A_93 = tpu.memref_slice %arg6[%dma_start3A_91, %dma_start3A_92] : memref<240x128xf32, #tpu.memory_space<vmem_shared>> -> memref<240x128xf32, #tpu.memory_space<vmem_shared>>
    tpu.enqueue_indirect_dma source(%dma_start3A_93 : memref<240x128xf32, #tpu.memory_space<vmem_shared>>) target(%dma_start3A_88 : memref<80x128xf32, #tpu.memory_space<vmem>>) offsets(%dma_start3A_90 : memref<80xi32, #tpu.memory_space<vmem>>) semaphore(%arg30 : memref<!tpu.dma_semaphore, #tpu.memory_space<semaphore_mem>>) {add = true}
    %dma_wait3A_94 = arith.constant 0 : i32
    %dma_wait3A_95 = arith.constant 0 : i32
    %dma_wait3A_96 = tpu.memref_slice %arg9[%dma_wait3A_94, %dma_wait3A_95] : memref<80x128xf32, #tpu.memory_space<vmem>> -> memref<80x128xf32, #tpu.memory_space<vmem>>
    %dma_wait3A_97 = arith.constant 9680 : i32
    %dma_wait3A_98 = tpu.memref_slice %arg7[%dma_wait3A_97] : memref<10000xi32, #tpu.memory_space<vmem>> -> memref<80xi32, #tpu.memory_space<vmem>>
    %dma_wait3A_99 = arith.constant 0 : i32
    %dma_wait3A_100 = arith.constant 0 : i32
    %dma_wait3A_101 = tpu.memref_slice %arg6[%dma_wait3A_99, %dma_wait3A_100] : memref<240x128xf32, #tpu.memory_space<vmem_shared>> -> memref<240x128xf32, #tpu.memory_space<vmem_shared>>
    tpu.wait_indirect_dma semaphore(%arg29 : memref<!tpu.dma_semaphore, #tpu.memory_space<semaphore_mem>>) src(%dma_wait3A_101 : memref<240x128xf32, #tpu.memory_space<vmem_shared>>) dst(%dma_wait3A_96 : memref<80x128xf32, #tpu.memory_space<vmem>>)
    %add3A_102 = arith.constant 9680 : i32
    %add3A_103 = arith.addi %mul3A_2, %add3A_102 : i32
    %dma_start3A_104 = arith.constant 0 : i32
    %dma_start3A_105 = tpu.memref_slice %arg5[%add3A_103, %dma_start3A_104] : memref<320000x128xf32, #tpu.memory_space<hbm>> -> memref<80x128xf32, #tpu.memory_space<hbm>>
    %dma_start3A_106 = arith.constant 0 : i32
    %dma_start3A_107 = tpu.memref_slice %arg5[%add3A_103, %dma_start3A_106] : memref<320000x128xf32, #tpu.memory_space<hbm>> -> memref<80x128xf32, #tpu.memory_space<hbm>>
    tpu.enqueue_dma source(%arg9 : memref<80x128xf32, #tpu.memory_space<vmem>>) target(%dma_start3A_107 : memref<80x128xf32, #tpu.memory_space<hbm>>) target_semaphore(%arg39 : memref<!tpu.dma_semaphore, #tpu.memory_space<semaphore_mem>>)
    %add3A_108 = arith.constant 9840 : i32
    %add3A_109 = arith.addi %mul3A_2, %add3A_108 : i32
    %dma_wait3A_110 = arith.constant 0 : i32
    %dma_wait3A_111 = tpu.memref_slice %arg2[%add3A_109, %dma_wait3A_110] : memref<320000x128xf32, #tpu.memory_space<hbm>> -> memref<80x128xf32, #tpu.memory_space<hbm>>
    %dma_wait3A_112 = arith.constant 0 : i32
    %dma_wait3A_113 = tpu.memref_slice %arg2[%add3A_109, %dma_wait3A_112] : memref<320000x128xf32, #tpu.memory_space<hbm>> -> memref<80x128xf32, #tpu.memory_space<hbm>>
    tpu.wait_dma2 semaphore(%arg21 : memref<!tpu.dma_semaphore, #tpu.memory_space<semaphore_mem>>) src(%dma_wait3A_113 : memref<80x128xf32, #tpu.memory_space<hbm>>) dst(%arg11 : memref<80x128xf32, #tpu.memory_space<vmem>>)
    %dma_start3A_114 = arith.constant 0 : i32
    %dma_start3A_115 = arith.constant 0 : i32
    %dma_start3A_116 = tpu.memref_slice %arg11[%dma_start3A_114, %dma_start3A_115] : memref<80x128xf32, #tpu.memory_space<vmem>> -> memref<80x128xf32, #tpu.memory_space<vmem>>
    %dma_start3A_117 = arith.constant 9840 : i32
    %dma_start3A_118 = tpu.memref_slice %arg7[%dma_start3A_117] : memref<10000xi32, #tpu.memory_space<vmem>> -> memref<80xi32, #tpu.memory_space<vmem>>
    %dma_start3A_119 = arith.constant 0 : i32
    %dma_start3A_120 = arith.constant 0 : i32
    %dma_start3A_121 = tpu.memref_slice %arg6[%dma_start3A_119, %dma_start3A_120] : memref<240x128xf32, #tpu.memory_space<vmem_shared>> -> memref<240x128xf32, #tpu.memory_space<vmem_shared>>
    tpu.enqueue_indirect_dma source(%dma_start3A_121 : memref<240x128xf32, #tpu.memory_space<vmem_shared>>) target(%dma_start3A_116 : memref<80x128xf32, #tpu.memory_space<vmem>>) offsets(%dma_start3A_118 : memref<80xi32, #tpu.memory_space<vmem>>) semaphore(%arg31 : memref<!tpu.dma_semaphore, #tpu.memory_space<semaphore_mem>>) {add = true}
    %dma_wait3A_122 = arith.constant 0 : i32
    %dma_wait3A_123 = arith.constant 0 : i32
    %dma_wait3A_124 = tpu.memref_slice %arg10[%dma_wait3A_122, %dma_wait3A_123] : memref<80x128xf32, #tpu.memory_space<vmem>> -> memref<80x128xf32, #tpu.memory_space<vmem>>
    %dma_wait3A_125 = arith.constant 9760 : i32
    %dma_wait3A_126 = tpu.memref_slice %arg7[%dma_wait3A_125] : memref<10000xi32, #tpu.memory_space<vmem>> -> memref<80xi32, #tpu.memory_space<vmem>>
    %dma_wait3A_127 = arith.constant 0 : i32
    %dma_wait3A_128 = arith.constant 0 : i32
    %dma_wait3A_129 = tpu.memref_slice %arg6[%dma_wait3A_127, %dma_wait3A_128] : memref<240x128xf32, #tpu.memory_space<vmem_shared>> -> memref<240x128xf32, #tpu.memory_space<vmem_shared>>
    tpu.wait_indirect_dma semaphore(%arg30 : memref<!tpu.dma_semaphore, #tpu.memory_space<semaphore_mem>>) src(%dma_wait3A_129 : memref<240x128xf32, #tpu.memory_space<vmem_shared>>) dst(%dma_wait3A_124 : memref<80x128xf32, #tpu.memory_space<vmem>>)
    %add3A_130 = arith.constant 9760 : i32
    %add3A_131 = arith.addi %mul3A_2, %add3A_130 : i32
    %dma_start3A_132 = arith.constant 0 : i32
    %dma_start3A_133 = tpu.memref_slice %arg5[%add3A_131, %dma_start3A_132] : memref<320000x128xf32, #tpu.memory_space<hbm>> -> memref<80x128xf32, #tpu.memory_space<hbm>>
    %dma_start3A_134 = arith.constant 0 : i32
    %dma_start3A_135 = tpu.memref_slice %arg5[%add3A_131, %dma_start3A_134] : memref<320000x128xf32, #tpu.memory_space<hbm>> -> memref<80x128xf32, #tpu.memory_space<hbm>>
    tpu.enqueue_dma source(%arg10 : memref<80x128xf32, #tpu.memory_space<vmem>>) target(%dma_start3A_135 : memref<80x128xf32, #tpu.memory_space<hbm>>) target_semaphore(%arg40 : memref<!tpu.dma_semaphore, #tpu.memory_space<semaphore_mem>>)
    %add3A_136 = arith.constant 9920 : i32
    %add3A_137 = arith.addi %mul3A_2, %add3A_136 : i32
    %dma_wait3A_138 = arith.constant 0 : i32
    %dma_wait3A_139 = tpu.memref_slice %arg2[%add3A_137, %dma_wait3A_138] : memref<320000x128xf32, #tpu.memory_space<hbm>> -> memref<80x128xf32, #tpu.memory_space<hbm>>
    %dma_wait3A_140 = arith.constant 0 : i32
    %dma_wait3A_141 = tpu.memref_slice %arg2[%add3A_137, %dma_wait3A_140] : memref<320000x128xf32, #tpu.memory_space<hbm>> -> memref<80x128xf32, #tpu.memory_space<hbm>>
    tpu.wait_dma2 semaphore(%arg22 : memref<!tpu.dma_semaphore, #tpu.memory_space<semaphore_mem>>) src(%dma_wait3A_141 : memref<80x128xf32, #tpu.memory_space<hbm>>) dst(%arg12 : memref<80x128xf32, #tpu.memory_space<vmem>>)
    %dma_start3A_142 = arith.constant 0 : i32
    %dma_start3A_143 = arith.constant 0 : i32
    %dma_start3A_144 = tpu.memref_slice %arg12[%dma_start3A_142, %dma_start3A_143] : memref<80x128xf32, #tpu.memory_space<vmem>> -> memref<80x128xf32, #tpu.memory_space<vmem>>
    %dma_start3A_145 = arith.constant 9920 : i32
    %dma_start3A_146 = tpu.memref_slice %arg7[%dma_start3A_145] : memref<10000xi32, #tpu.memory_space<vmem>> -> memref<80xi32, #tpu.memory_space<vmem>>
    %dma_start3A_147 = arith.constant 0 : i32
    %dma_start3A_148 = arith.constant 0 : i32
    %dma_start3A_149 = tpu.memref_slice %arg6[%dma_start3A_147, %dma_start3A_148] : memref<240x128xf32, #tpu.memory_space<vmem_shared>> -> memref<240x128xf32, #tpu.memory_space<vmem_shared>>
    tpu.enqueue_indirect_dma source(%dma_start3A_149 : memref<240x128xf32, #tpu.memory_space<vmem_shared>>) target(%dma_start3A_144 : memref<80x128xf32, #tpu.memory_space<vmem>>) offsets(%dma_start3A_146 : memref<80xi32, #tpu.memory_space<vmem>>) semaphore(%arg32 : memref<!tpu.dma_semaphore, #tpu.memory_space<semaphore_mem>>) {add = true}
    %dma_wait3A_150 = arith.constant 0 : i32
    %dma_wait3A_151 = arith.constant 0 : i32
    %dma_wait3A_152 = tpu.memref_slice %arg11[%dma_wait3A_150, %dma_wait3A_151] : memref<80x128xf32, #tpu.memory_space<vmem>> -> memref<80x128xf32, #tpu.memory_space<vmem>>
    %dma_wait3A_153 = arith.constant 9840 : i32
    %dma_wait3A_154 = tpu.memref_slice %arg7[%dma_wait3A_153] : memref<10000xi32, #tpu.memory_space<vmem>> -> memref<80xi32, #tpu.memory_space<vmem>>
    %dma_wait3A_155 = arith.constant 0 : i32
    %dma_wait3A_156 = arith.constant 0 : i32
    %dma_wait3A_157 = tpu.memref_slice %arg6[%dma_wait3A_155, %dma_wait3A_156] : memref<240x128xf32, #tpu.memory_space<vmem_shared>> -> memref<240x128xf32, #tpu.memory_space<vmem_shared>>
    tpu.wait_indirect_dma semaphore(%arg31 : memref<!tpu.dma_semaphore, #tpu.memory_space<semaphore_mem>>) src(%dma_wait3A_157 : memref<240x128xf32, #tpu.memory_space<vmem_shared>>) dst(%dma_wait3A_152 : memref<80x128xf32, #tpu.memory_space<vmem>>)
    %add3A_158 = arith.constant 9840 : i32
    %add3A_159 = arith.addi %mul3A_2, %add3A_158 : i32
    %dma_start3A_160 = arith.constant 0 : i32
    %dma_start3A_161 = tpu.memref_slice %arg5[%add3A_159, %dma_start3A_160] : memref<320000x128xf32, #tpu.memory_space<hbm>> -> memref<80x128xf32, #tpu.memory_space<hbm>>
    %dma_start3A_162 = arith.constant 0 : i32
    %dma_start3A_163 = tpu.memref_slice %arg5[%add3A_159, %dma_start3A_162] : memref<320000x128xf32, #tpu.memory_space<hbm>> -> memref<80x128xf32, #tpu.memory_space<hbm>>
    tpu.enqueue_dma source(%arg11 : memref<80x128xf32, #tpu.memory_space<vmem>>) target(%dma_start3A_163 : memref<80x128xf32, #tpu.memory_space<hbm>>) target_semaphore(%arg41 : memref<!tpu.dma_semaphore, #tpu.memory_space<semaphore_mem>>)
    %dma_wait3A_164 = arith.constant 0 : i32
    %dma_wait3A_165 = arith.constant 0 : i32
    %dma_wait3A_166 = tpu.memref_slice %arg12[%dma_wait3A_164, %dma_wait3A_165] : memref<80x128xf32, #tpu.memory_space<vmem>> -> memref<80x128xf32, #tpu.memory_space<vmem>>
    %dma_wait3A_167 = arith.constant 9920 : i32
    %dma_wait3A_168 = tpu.memref_slice %arg7[%dma_wait3A_167] : memref<10000xi32, #tpu.memory_space<vmem>> -> memref<80xi32, #tpu.memory_space<vmem>>
    %dma_wait3A_169 = arith.constant 0 : i32
    %dma_wait3A_170 = arith.constant 0 : i32
    %dma_wait3A_171 = tpu.memref_slice %arg6[%dma_wait3A_169, %dma_wait3A_170] : memref<240x128xf32, #tpu.memory_space<vmem_shared>> -> memref<240x128xf32, #tpu.memory_space<vmem_shared>>
    tpu.wait_indirect_dma semaphore(%arg32 : memref<!tpu.dma_semaphore, #tpu.memory_space<semaphore_mem>>) src(%dma_wait3A_171 : memref<240x128xf32, #tpu.memory_space<vmem_shared>>) dst(%dma_wait3A_166 : memref<80x128xf32, #tpu.memory_space<vmem>>)
    %add3A_172 = arith.constant 9920 : i32
    %add3A_173 = arith.addi %mul3A_2, %add3A_172 : i32
    %dma_start3A_174 = arith.constant 0 : i32
    %dma_start3A_175 = tpu.memref_slice %arg5[%add3A_173, %dma_start3A_174] : memref<320000x128xf32, #tpu.memory_space<hbm>> -> memref<80x128xf32, #tpu.memory_space<hbm>>
    %dma_start3A_176 = arith.constant 0 : i32
    %dma_start3A_177 = tpu.memref_slice %arg5[%add3A_173, %dma_start3A_176] : memref<320000x128xf32, #tpu.memory_space<hbm>> -> memref<80x128xf32, #tpu.memory_space<hbm>>
    tpu.enqueue_dma source(%arg12 : memref<80x128xf32, #tpu.memory_space<vmem>>) target(%dma_start3A_177 : memref<80x128xf32, #tpu.memory_space<hbm>>) target_semaphore(%arg42 : memref<!tpu.dma_semaphore, #tpu.memory_space<semaphore_mem>>)
    %add3A_178 = arith.constant 9200 : i32
    %add3A_179 = arith.addi %mul3A_2, %add3A_178 : i32
    %dma_wait3A_180 = arith.constant 0 : i32
    %dma_wait3A_181 = tpu.memref_slice %arg5[%add3A_179, %dma_wait3A_180] : memref<320000x128xf32, #tpu.memory_space<hbm>> -> memref<80x128xf32, #tpu.memory_space<hbm>>
    %dma_wait3A_182 = arith.constant 0 : i32
    %dma_wait3A_183 = tpu.memref_slice %arg5[%add3A_179, %dma_wait3A_182] : memref<320000x128xf32, #tpu.memory_space<hbm>> -> memref<80x128xf32, #tpu.memory_space<hbm>>
    tpu.wait_dma2 semaphore(%arg43 : memref<!tpu.dma_semaphore, #tpu.memory_space<semaphore_mem>>) src(%arg13 : memref<80x128xf32, #tpu.memory_space<vmem>>) dst(%dma_wait3A_183 : memref<80x128xf32, #tpu.memory_space<hbm>>)
    %add3A_184 = arith.constant 9280 : i32
    %add3A_185 = arith.addi %mul3A_2, %add3A_184 : i32
    %dma_wait3A_186 = arith.constant 0 : i32
    %dma_wait3A_187 = tpu.memref_slice %arg5[%add3A_185, %dma_wait3A_186] : memref<320000x128xf32, #tpu.memory_space<hbm>> -> memref<80x128xf32, #tpu.memory_space<hbm>>
    %dma_wait3A_188 = arith.constant 0 : i32
    %dma_wait3A_189 = tpu.memref_slice %arg5[%add3A_185, %dma_wait3A_188] : memref<320000x128xf32, #tpu.memory_space<hbm>> -> memref<80x128xf32, #tpu.memory_space<hbm>>
    tpu.wait_dma2 semaphore(%arg44 : memref<!tpu.dma_semaphore, #tpu.memory_space<semaphore_mem>>) src(%arg14 : memref<80x128xf32, #tpu.memory_space<vmem>>) dst(%dma_wait3A_189 : memref<80x128xf32, #tpu.memory_space<hbm>>)
    %add3A_190 = arith.constant 9360 : i32
    %add3A_191 = arith.addi %mul3A_2, %add3A_190 : i32
    %dma_wait3A_192 = arith.constant 0 : i32
    %dma_wait3A_193 = tpu.memref_slice %arg5[%add3A_191, %dma_wait3A_192] : memref<320000x128xf32, #tpu.memory_space<hbm>> -> memref<80x128xf32, #tpu.memory_space<hbm>>
    %dma_wait3A_194 = arith.constant 0 : i32
    %dma_wait3A_195 = tpu.memref_slice %arg5[%add3A_191, %dma_wait3A_194] : memref<320000x128xf32, #tpu.memory_space<hbm>> -> memref<80x128xf32, #tpu.memory_space<hbm>>
    tpu.wait_dma2 semaphore(%arg45 : memref<!tpu.dma_semaphore, #tpu.memory_space<semaphore_mem>>) src(%arg15 : memref<80x128xf32, #tpu.memory_space<vmem>>) dst(%dma_wait3A_195 : memref<80x128xf32, #tpu.memory_space<hbm>>)
    %add3A_196 = arith.constant 9440 : i32
    %add3A_197 = arith.addi %mul3A_2, %add3A_196 : i32
    %dma_wait3A_198 = arith.constant 0 : i32
    %dma_wait3A_199 = tpu.memref_slice %arg5[%add3A_197, %dma_wait3A_198] : memref<320000x128xf32, #tpu.memory_space<hbm>> -> memref<80x128xf32, #tpu.memory_space<hbm>>
    %dma_wait3A_200 = arith.constant 0 : i32
    %dma_wait3A_201 = tpu.memref_slice %arg5[%add3A_197, %dma_wait3A_200] : memref<320000x128xf32, #tpu.memory_space<hbm>> -> memref<80x128xf32, #tpu.memory_space<hbm>>
    tpu.wait_dma2 semaphore(%arg46 : memref<!tpu.dma_semaphore, #tpu.memory_space<semaphore_mem>>) src(%arg16 : memref<80x128xf32, #tpu.memory_space<vmem>>) dst(%dma_wait3A_201 : memref<80x128xf32, #tpu.memory_space<hbm>>)
    %add3A_202 = arith.constant 9520 : i32
    %add3A_203 = arith.addi %mul3A_2, %add3A_202 : i32
    %dma_wait3A_204 = arith.constant 0 : i32
    %dma_wait3A_205 = tpu.memref_slice %arg5[%add3A_203, %dma_wait3A_204] : memref<320000x128xf32, #tpu.memory_space<hbm>> -> memref<80x128xf32, #tpu.memory_space<hbm>>
    %dma_wait3A_206 = arith.constant 0 : i32
    %dma_wait3A_207 = tpu.memref_slice %arg5[%add3A_203, %dma_wait3A_206] : memref<320000x128xf32, #tpu.memory_space<hbm>> -> memref<80x128xf32, #tpu.memory_space<hbm>>
    tpu.wait_dma2 semaphore(%arg47 : memref<!tpu.dma_semaphore, #tpu.memory_space<semaphore_mem>>) src(%arg17 : memref<80x128xf32, #tpu.memory_space<vmem>>) dst(%dma_wait3A_207 : memref<80x128xf32, #tpu.memory_space<hbm>>)
    %add3A_208 = arith.constant 9600 : i32
    %add3A_209 = arith.addi %mul3A_2, %add3A_208 : i32
    %dma_wait3A_210 = arith.constant 0 : i32
    %dma_wait3A_211 = tpu.memref_slice %arg5[%add3A_209, %dma_wait3A_210] : memref<320000x128xf32, #tpu.memory_space<hbm>> -> memref<80x128xf32, #tpu.memory_space<hbm>>
    %dma_wait3A_212 = arith.constant 0 : i32
    %dma_wait3A_213 = tpu.memref_slice %arg5[%add3A_209, %dma_wait3A_212] : memref<320000x128xf32, #tpu.memory_space<hbm>> -> memref<80x128xf32, #tpu.memory_space<hbm>>
    tpu.wait_dma2 semaphore(%arg38 : memref<!tpu.dma_semaphore, #tpu.memory_space<semaphore_mem>>) src(%arg8 : memref<80x128xf32, #tpu.memory_space<vmem>>) dst(%dma_wait3A_213 : memref<80x128xf32, #tpu.memory_space<hbm>>)
    %add3A_214 = arith.constant 9680 : i32
    %add3A_215 = arith.addi %mul3A_2, %add3A_214 : i32
    %dma_wait3A_216 = arith.constant 0 : i32
    %dma_wait3A_217 = tpu.memref_slice %arg5[%add3A_215, %dma_wait3A_216] : memref<320000x128xf32, #tpu.memory_space<hbm>> -> memref<80x128xf32, #tpu.memory_space<hbm>>
    %dma_wait3A_218 = arith.constant 0 : i32
    %dma_wait3A_219 = tpu.memref_slice %arg5[%add3A_215, %dma_wait3A_218] : memref<320000x128xf32, #tpu.memory_space<hbm>> -> memref<80x128xf32, #tpu.memory_space<hbm>>
    tpu.wait_dma2 semaphore(%arg39 : memref<!tpu.dma_semaphore, #tpu.memory_space<semaphore_mem>>) src(%arg9 : memref<80x128xf32, #tpu.memory_space<vmem>>) dst(%dma_wait3A_219 : memref<80x128xf32, #tpu.memory_space<hbm>>)
    %add3A_220 = arith.constant 9760 : i32
    %add3A_221 = arith.addi %mul3A_2, %add3A_220 : i32
    %dma_wait3A_222 = arith.constant 0 : i32
    %dma_wait3A_223 = tpu.memref_slice %arg5[%add3A_221, %dma_wait3A_222] : memref<320000x128xf32, #tpu.memory_space<hbm>> -> memref<80x128xf32, #tpu.memory_space<hbm>>
    %dma_wait3A_224 = arith.constant 0 : i32
    %dma_wait3A_225 = tpu.memref_slice %arg5[%add3A_221, %dma_wait3A_224] : memref<320000x128xf32, #tpu.memory_space<hbm>> -> memref<80x128xf32, #tpu.memory_space<hbm>>
    tpu.wait_dma2 semaphore(%arg40 : memref<!tpu.dma_semaphore, #tpu.memory_space<semaphore_mem>>) src(%arg10 : memref<80x128xf32, #tpu.memory_space<vmem>>) dst(%dma_wait3A_225 : memref<80x128xf32, #tpu.memory_space<hbm>>)
    %add3A_226 = arith.constant 9840 : i32
    %add3A_227 = arith.addi %mul3A_2, %add3A_226 : i32
    %dma_wait3A_228 = arith.constant 0 : i32
    %dma_wait3A_229 = tpu.memref_slice %arg5[%add3A_227, %dma_wait3A_228] : memref<320000x128xf32, #tpu.memory_space<hbm>> -> memref<80x128xf32, #tpu.memory_space<hbm>>
    %dma_wait3A_230 = arith.constant 0 : i32
    %dma_wait3A_231 = tpu.memref_slice %arg5[%add3A_227, %dma_wait3A_230] : memref<320000x128xf32, #tpu.memory_space<hbm>> -> memref<80x128xf32, #tpu.memory_space<hbm>>
    tpu.wait_dma2 semaphore(%arg41 : memref<!tpu.dma_semaphore, #tpu.memory_space<semaphore_mem>>) src(%arg11 : memref<80x128xf32, #tpu.memory_space<vmem>>) dst(%dma_wait3A_231 : memref<80x128xf32, #tpu.memory_space<hbm>>)
    %add3A_232 = arith.constant 9920 : i32
    %add3A_233 = arith.addi %mul3A_2, %add3A_232 : i32
    %dma_wait3A_234 = arith.constant 0 : i32
    %dma_wait3A_235 = tpu.memref_slice %arg5[%add3A_233, %dma_wait3A_234] : memref<320000x128xf32, #tpu.memory_space<hbm>> -> memref<80x128xf32, #tpu.memory_space<hbm>>
    %dma_wait3A_236 = arith.constant 0 : i32
    %dma_wait3A_237 = tpu.memref_slice %arg5[%add3A_233, %dma_wait3A_236] : memref<320000x128xf32, #tpu.memory_space<hbm>> -> memref<80x128xf32, #tpu.memory_space<hbm>>
    tpu.wait_dma2 semaphore(%arg42 : memref<!tpu.dma_semaphore, #tpu.memory_space<semaphore_mem>>) src(%arg12 : memref<80x128xf32, #tpu.memory_space<vmem>>) dst(%dma_wait3A_237 : memref<80x128xf32, #tpu.memory_space<hbm>>)
    return
  }
}

module attributes {stable_mosaic.version = 14 : i64} {
  func.func @_fuse_table_kernel(%arg0: memref<240x128xf32, #tpu.memory_space<vmem>>, %arg1: memref<128x128xf32, #tpu.memory_space<vmem>>, %arg2: memref<1x128xf32, #tpu.memory_space<vmem>>, %arg3: memref<240x128xf32, #tpu.memory_space<vmem>>) attributes {dimension_semantics = [], scalar_prefetch = 0 : i64, scratch_operands = 0 : i64, tpu.core_type = #tpu.core_type<tc>} {
    %get3A = arith.constant 0 : index
    %get3A_0 = arith.constant 0 : index
    %get3A_1 = vector.load %arg0[%get3A, %get3A_0] : memref<240x128xf32, #tpu.memory_space<vmem>>, vector<240x128xf32>
    %get3A_2 = arith.constant 0 : index
    %get3A_3 = arith.constant 0 : index
    %get3A_4 = vector.load %arg1[%get3A_2, %get3A_3] : memref<128x128xf32, #tpu.memory_space<vmem>>, vector<128x128xf32>
    %dot_general3A = arith.constant dense<0.000000e+00> : vector<240x128xf32>
    %dot_general3A_5 = tpu.matmul %get3A_1, %get3A_4, %dot_general3A {dimension_numbers = #tpu.dot_dimension_numbers<[1], [1], [0], [0], [0, 0, 1, 0], [], []>, transpose_lhs_hint = false} : vector<240x128xf32>, vector<128x128xf32>, vector<240x128xf32> -> vector<240x128xf32>
    %get3A_6 = arith.constant 0 : index
    %get3A_7 = arith.constant 0 : index
    %get3A_8 = vector.load %arg2[%get3A_6, %get3A_7] : memref<1x128xf32, #tpu.memory_space<vmem>>, vector<1x128xf32>
    %add3A = vector.broadcast %get3A_8 : vector<1x128xf32> to vector<240x128xf32>
    %add3A_9 = arith.addf %dot_general3A_5, %add3A : vector<240x128xf32>
    %swap3A = arith.constant 0 : index
    %swap3A_10 = arith.constant 0 : index
    %swap3A_11 = vector.load %arg3[%swap3A, %swap3A_10] : memref<240x128xf32, #tpu.memory_space<vmem>>, vector<240x128xf32>
    tpu.vector_store %arg3[%swap3A, %swap3A_10], %add3A_9 {strides = array<i32>} : memref<240x128xf32, #tpu.memory_space<vmem>>, vector<240x128xf32>,
    return
  }
}

</mosaic_0001>

<sc_bundles>
// kernel: kernel.4.cloned.1.call-start
scs
__scs_entry_jumppad:
0x0: {  	(pc) =	sbr.rel $0x88, $3  }
0x1: {  	(tag) =	ssettag $0x0;
	lr =	simm.s32 $0x1  }
0x2: {  	[smem:$0x3F9C] =	sst lr;
	_ =	strace $0xD0000000  }
0x3: {  	_ = 	snop  }
0x4: {  	_ = 	snop  }
0x5: {  	_ = 	snop  }
0x6: {  	_ = 	snop  }
0x7: {  	_ = 	snop  }
__scs_overlays_trampoline_lowered:
0x8: {  	[smem:$0x3FAB] =	sst s0  }
0x9: {  	[smem:$0x3FAC] =	sst s1  }
0xa: {  	[smem:$0x3FAD] =	sst s2  }
0xb: {  	[smem:$0x3FAE] =	sst s3  }
0xc: {  	[smem:$0x3FAF] =	sst s4  }
0xd: {  	[smem:$0x3FB0] =	sst s5  }
0xe: {  	[smem:$0x3FB1] =	sst s6  }
0xf: {  	[smem:$0x3FB2] =	sst s7  }
0x10: {  	[smem:$0x3FB3] =	sst s8  }
0x11: {  	[smem:$0x3FB4] =	sst s9;
	s0 =	simm.s32 @!p0 $0x0  }
0x12: {  	s1 =	sld [smem:$0x3F9A];
	s0 =	simm.s32 @p0 $0x1  }
0x13: {  	[smem:$0x3FB5] =	sst s0;
	s0 =	simm.s32 @!p1 $0x0  }
0x14: {  	s2 =	sld [smem:$0x3F99];
	s0 =	simm.s32 @p1 $0x1  }
0x15: {  	[smem:$0x3FB6] =	sst s0;
	s0 =	simm.s32 @!p2 $0x0  }
0x16: {  	s3 =	sld [smem:$0x3FDB];
	s0 =	simm.s32 @p2 $0x1  }
0x17: {  	s4 =	simm.s32 $0x1BF5;
	[smem:$0x3FB8] =	sst s0  }
0x18: {  	s0 =	sld [smem:$0x3F9B];
	_ =	swait.ge [sflag:s4], $0x0  }
0x19: {  	s7 =	sld [smem:$0x3F9C]  }
0x1a: {  	s8 =	sadd.s32 $0xFFFFE003, lr  }
0x1b: {  	s9 =	sadd.s32 $0xFFFFFEF7, lr;
	s5 =	simm.s32 $0xFFFFFFFF;
	p2 =	slt.u32 s8, $0xFFFFF086  }
0x1c: {  	p1 =	slt.u32 s9, $0xF7A;
	s5 =	simm.s32 @!p2 $0x0  }
0x1d: {  	s5 =	simm.s32 @p1 $0x1;
	p0 =	seq.s32 s7, s2  }
0x1e: {  	s7 =	smul.u32 @!p0 $0xF7A, s2;
	p2 =	seq.s32 @!p0 s5, $0x0  }
0x1f: {  	s9 =	smul.u32 $0xF7A, s1;
	s8 =	simm.s32 @!p0 $0x1BF5;
	p2 =	por !p2, p0  }
0x20: {  	[sflag:s8] =	ssyncset.s32 @!p0 $0xFFFFF086;
	s6 =	sadd.s32 @!p0 s3, s7;
	s7 =	simm.s32 @!p0 $0x108  }
0x21: {  	s3 =	sadd.s32 s3, s9;
	s6 =	sadd.s32 @!p0 $0x88, s6;
	s7 =	simm.s32 @p2 $0x1082  }
0x22: {  	[simem:s7], [sflag:s8] =	dma.local @!p0 [hbm:s6], $0xF7A  }
0x23: {  	s9 =	sor.u32 $0xD0000000, s2;
	s6 =	simm.s32 $0x108;
	_ =	swait.ge @!p0 [sflag:s8], $0x0  }
0x24: {  	s3 =	sadd.s32 $0x88, s3;
	s6 =	simm.s32 @!p1 $0x1082;
	[sflag:s4] =	ssyncset.s32 $0xFFFFF086  }
0x25: {  	[simem:s6], [sflag:s4] =	dma.local [hbm:s3], $0xF7A  }
0x26: {  	[smem:$0x3F9C] =	sst s1;
	(tag) =	ssettag s2;
	_ =	strace s9  }
0x27: {  	s1 =	sld [smem:$0x3FAC]  }
0x28: {  	s2 =	sld [smem:$0x3FAD]  }
0x29: {  	s4 =	sld [smem:$0x3FAF]  }
0x2a: {  	p0 =	seq.s32 s5, $0x0;
	s5 =	sld [smem:$0x3FB0]  }
0x2b: {  	s6 =	sld [smem:$0x3FB1]  }
0x2c: {  	s7 =	sld [smem:$0x3FB2]  }
0x2d: {  	s3 =	simm.s32 $0x108;
	s8 =	sld [smem:$0x3FB3]  }
0x2e: {  	s3 =	simm.s32 @!p0 $0x1082;
	s9 =	sld [smem:$0x3FB4]  }
0x2f: {  	lr =	sadd.s32 s0, s3;
	s0 =	sld [smem:$0x3FAB]  }
0x30: {  	s3 =	sld [smem:$0x3FAE]  }
0x31: {  	[smem:$0x3FB7] =	sst s10  }
0x32: {  	s10 =	sld [smem:$0x3FB5];
	_ =	sdelay $0x3  }
0x33: {  	p0 =	seq.s32 s10, $0x1;
	s10 =	sld [smem:$0x3FB7];
	_ =	sdelay $0x3  }
0x34: {  	[smem:$0x3FB7] =	sst s10  }
0x35: {  	s10 =	sld [smem:$0x3FB6];
	_ =	sdelay $0x3  }
0x36: {  	p1 =	seq.s32 s10, $0x1;
	s10 =	sld [smem:$0x3FB7];
	_ =	sdelay $0x3  }
0x37: {  	[smem:$0x3FB7] =	sst s10  }
0x38: {  	s10 =	sld [smem:$0x3FB8]  }
0x39: {  	_ = 	snop;
	(pc) =	sbr.ind lr, $3  }
0x3a: {  	_ = 	snop  }
0x3b: {  	_ = 	snop  }
0x3c: {  	p2 =	seq.s32 s10, $0x1;
	s10 =	sld [smem:$0x3FB7]  }
0x3d: {  	_ =	shalt  }
0x3e: {  	_ =	shalt  }
0x3f: {  	_ =	shalt  }
0x40: {  	_ =	shalt  }
0x41: {  	_ =	shalt  }
0x42: {  	_ =	shalt  }
0x43: {  	_ =	shalt  }
0x44: {  	_ =	shalt  }
0x45: {  	_ =	shalt  }
0x46: {  	_ =	shalt  }
0x47: {  	_ =	shalt  }
0x48: {  	_ =	shalt  }
0x49: {  	_ =	shalt  }
0x4a: {  	_ =	shalt  }
0x4b: {  	_ =	shalt  }
0x4c: {  	_ =	shalt  }
0x4d: {  	_ =	shalt  }
0x4e: {  	_ =	shalt  }
0x4f: {  	_ =	shalt  }
0x50: {  	_ =	shalt  }
0x51: {  	_ =	shalt  }
0x52: {  	_ =	shalt  }
0x53: {  	_ =	shalt  }
0x54: {  	_ =	shalt  }
0x55: {  	_ =	shalt  }
0x56: {  	_ =	shalt  }
0x57: {  	_ =	shalt  }
0x58: {  	_ =	shalt  }
0x59: {  	_ =	shalt  }
0x5a: {  	_ =	shalt  }
0x5b: {  	_ =	shalt  }
0x5c: {  	_ =	shalt  }
0x5d: {  	_ =	shalt  }
0x5e: {  	_ =	shalt  }
0x5f: {  	_ =	shalt  }
0x60: {  	_ =	shalt  }
0x61: {  	_ =	shalt  }
0x62: {  	_ =	shalt  }
0x63: {  	_ =	shalt  }
0x64: {  	_ =	shalt  }
0x65: {  	_ =	shalt  }
0x66: {  	_ =	shalt  }
0x67: {  	_ =	shalt  }
0x68: {  	_ =	shalt  }
0x69: {  	_ =	shalt  }
0x6a: {  	_ =	shalt  }
0x6b: {  	_ =	shalt  }
0x6c: {  	_ =	shalt  }
0x6d: {  	_ =	shalt  }
0x6e: {  	_ =	shalt  }
0x6f: {  	_ =	shalt  }
0x70: {  	_ =	shalt  }
0x71: {  	_ =	shalt  }
0x72: {  	_ =	shalt  }
0x73: {  	_ =	shalt  }
0x74: {  	_ =	shalt  }
0x75: {  	_ =	shalt  }
0x76: {  	_ =	shalt  }
0x77: {  	_ =	shalt  }
0x78: {  	_ =	shalt  }
0x79: {  	_ =	shalt  }
0x7a: {  	_ =	shalt  }
0x7b: {  	_ =	shalt  }
0x7c: {  	_ =	shalt  }
0x7d: {  	_ =	shalt  }
0x7e: {  	_ =	shalt  }
0x7f: {  	_ =	shalt  }
0x80: {  	_ =	shalt  }
0x81: {  	_ =	shalt  }
0x82: {  	_ =	shalt  }
0x83: {  	_ =	shalt  }
0x84: {  	_ =	shalt  }
0x85: {  	_ =	shalt  }
0x86: {  	_ =	shalt  }
0x87: {  	_ =	shalt  }
.Lfunc_end0:
.L_simem_size_0:
called_computation_lowered:
.L_overlay_start_0:
0x88: {  	s2 =	sld [smem:$0x3FD9]  }
0x89: {  	s3 =	sld [smem:$0x3FFE];
	_ =	sdelay $0x1  }
0x8a: {  	s1 =	srdreg.scid  }
0x8b: {  	s0 =	sand.u32 $0x1, s1  }
0x8c: {  	s17 =	sshll.u32 s0, $0xA;
	s2 =	sadd.s32 s3, s2  }
0x8d: {  	s2 =	sadd.s32 s2, s17  }
0x8e: {  	[smem:$0x3FC3] =	sst s2  }
0x8f: {  	_ = 	snop  }
0x90: {  	s2 =	sld [smem:$0x3FC9]  }
0x91: {  	s18 =	sld [smem:$0x3FC8]  }
0x92: {  	s4 =	sld [smem:$0x3FD0];
	(tm) =	ssettm $0x1  }
0x93: {  	s5 =	sld [smem:$0x3FFB];
	_ =	sdelay $0x3  }
0x94: {  	_ =	strace s5  }
0x95: {  	s5 =	sld [smem:$0x3FFC];
	_ =	sdelay $0x3  }
0x96: {  	_ =	strace s5  }
0x97: {  	s5 =	sld [smem:$0x3FFD];
	_ =	sdelay $0x3  }
0x98: {  	_ =	strace s5  }
0x99: {  	_ =	strace $0x8FFFFFFF  }
0x9a: {  	s19 =	sld [smem:$0x3FDB];
	_ =	sdelay $0x1  }
0x9b: {  	s6 =	simm.s32 $_scs_section_size  }
0x9c: {  	s7 =	simm.s32 $_size__tile_overlayer_lowered;
	s8 =	simm.s32 $_tile_overlayer_lowered  }
0x9d: {  	s22 =	simm.s32 $0x1BFF;
	s21 =	sshll.u32 s8, $0x1;
	s5 =	sadd.s32 s6, s19  }
0x9e: {  	s9 =	simm.s32 $0x0;
	s20 =	sshll.u32 s7, $0x1;
	s7 =	sadd.s32 s21, s5  }
0x9f: {  	[timem:s9], [sflag:s22] =	dma.local [hbm:s7], s20  }
0xa0: {  	_ =	swait.ge [sflag:s22], s20  }
0xa1: {  	s6 =	ssub.s32 $0x0, s20;
	[sflag:s22] =	ssyncset.done $0x0  }
0xa2: {  	[sflag:s22] =	ssyncadd.s32 s6;
	_ =	sdelay $0x1  }
0xa3: {  	s23 =	simm.s32 $0x1B8B  }
0xa4: {  	_ =	swait.ge [sflag:s23], $0x1  }
0xa5: {  	[sflag:s23] =	ssyncset.done $0x0  }
0xa6: {  	s25 =	simm.s32 $0x1B8E;
	s24 =	sld [smem:$0x3FFE];
	[sflag:s23] =	ssyncadd.s32 $0xFFFFFFFF  }
0xa7: {  	s26 =	simm.s32 $execute0_lowered;
	[smem:$0x3FD2] =	sst s25  }
0xa8: {  	s7 =	sshll.u32 s26, $0x1;
	_ =	strace $0x80000046;
	[dreg:$0x1] =	wrdreg $0xFFFFFFFF  }
0xa9: {  	s28 =	simm.s32 $_size_execute0_lowered;
	s5 =	sadd.s32 s5, s7;
	[dreg:$0x0] =	wrdreg $0x0  }
0xaa: {  	s7 =	sshll.u32 s28, $0x1;
	[dreg:$0x2] =	wrdreg s5  }
0xab: {  	[dreg:$0x3] =	wrdreg s7  }
0xac: {  	[dreg:$0x4] =	wrdreg $0xC0  }
0xad: {  	_ =	task [dreg:s9], $0x5FFFF  }
0xae: {  	[dreg:$0x1] =	wrdreg $0xFFFFFFFF  }
0xaf: {  	[dreg:$0x0] =	wrdreg $0x60  }
0xb0: {  	[dreg:$0x2] =	wrdreg s2  }
0xb1: {  	[dreg:$0x3] =	wrdreg s18  }
0xb2: {  	[dreg:$0x4] =	wrdreg s24  }
0xb3: {  	[dreg:$0x5] =	wrdreg s4  }
0xb4: {  	[dreg:$0x6] =	wrdreg $0x0  }
0xb5: {  	[dreg:$0x7] =	wrdreg $0x9  }
0xb6: {  	_ =	task.clear_ibuf [dreg:s9], $0x8FFFF;
	_ =	strace $0x90000046  }
0xb7: {  	s29 =	simm.s32 $0x9;
	_ =	strace $0x80000048  }
0xb8: {  	_ =	swait.ge [sflag:s29], $0x1  }
0xb9: {  	[sflag:s29] =	ssyncadd.s32 $0xFFFFFFFF  }
0xba: {  	_ =	strace $0x90000048  }
0xbb: {  	_ =	sfence  }
0xbc: {  	s30 =	sld [smem:$0x0];
	_ =	sdelay $0x2  }
0xbd: {  	s31 =	sshll.u32 s1, $0xD;
	s1 =	sshrl.u32 s1, $0x2  }
0xbe: {  	s3 =	sand.u32 $0x4000, s31;
	s1 =	sadd.s32 s1, s30  }
0xbf: {  	s0 =	sor.u32 s3, s0;
	s1 =	sshll.u32 s1, $0x11  }
0xc0: {  	s0 =	sor.u32 s1, s0  }
0xc1: {  	s0 =	sadd.s32 $0x8F2B, s0  }
0xc2: {  	[sflag:s0] =	ssyncadd.remote.s32 $0x1  }
0xc3: {  	_ =	sfence.sel $0xFFFF  }
0xc4: {  	[dreg:$0x0] =	wrdreg $0xFFFFFFFF;
	(pc) =	sbr.abs _section_cstart, $3  }
0xc5: {  	[dreg:$0x1] =	wrdreg $0xFFFFFFFF  }
0xc6: {  	_ =	task.clear_ibuf [dreg:s9], $0x2FFFF;
	_ =	strace $0x9FFFFFFF  }
0xc7: {  	(tm) =	ssettm $0x7FFFFFFF  }
tec
execute0_lowered:
.L_overlay_start_1:
0x0: {  	(tag) =	ssettag $0x1  }
0x1: {  	s0 =	rddreg [dreg:$0x0]  }
0x2: {  	s3 =	rddreg [dreg:$0x1]  }
0x3: {  	s1 =	srdreg.scid;
	s5 =	stileid.u32  }
0x4: {  	s4 =	rddreg [dreg:$0x2];
	s7 =	sand.u32 $0x1, s1;
	s2 =	sshll.u32 s5, $0x1  }
0x5: {  	s6 =	rddreg [dreg:$0x3];
	s8 =	sor.u32 s7, s2  }
0x6: {  	s1 =	rddreg [dreg:$0x4];
	s9 =	smul.u32 $0x2710, s8  }
0x7: {  	s4 =	sadd.s32 $0xC00, s4;
	s2 =	simm.s32 $0x0;
	s11 =	smul.u32 $0x138800, s8  }
0x8: {  	s10 =	ssub.s32 $0x2, s7;
	[smem:$0x7FF] =	sst s2;
	s8 =	smul.u32 $0x27100, s8  }
0x9: {  	s16 =	sshrl.u32 s10, $0x1;
	_ =	strace $0x80000047;
	[dreg:$0x8] =	wrdreg s4  }
0xa: {  	s4 =	ssub.s32 s10, s16;
	s9 =	sshrl.u32 s9, $0x3;
	s8 =	sadd.s32 s0, s8  }
0xb: {  	s11 =	sshrl.u32 s11, $0x3;
	s31 =	smax.u32 s4, $0x1;
	[dreg:$0xa] =	wrdreg s8  }
0xc: {  	s3 =	sadd.s32 s3, s9;
	s17 =	sadd.s32 s0, s11;
	[dreg:$0x14] =	wrdreg s31  }
0xd: {  	s13 =	simm.s32 $0x16;
	[dreg:$0x9] =	wrdreg s3;
	s18 =	sadd.s32 $0x500, s17  }
0xe: {  	s14 =	simm.s32 $0x8;
	s19 =	sadd.s32 $0xA00, s17;
	[dreg:$0xb] =	wrdreg s18  }
0xf: {  	s15 =	simm.s32 $0x11;
	s20 =	sadd.s32 $0xF00, s17;
	[dreg:$0xc] =	wrdreg s19  }
0x10: {  	s21 =	sadd.s32 s6, s11;
	s3 =	sadd.s32 $0x1400, s17;
	[dreg:$0xd] =	wrdreg s20  }
0x11: {  	s22 =	smul.u32 $0x4E200, s5;
	s23 =	sadd.s32 $0x25800, s21;
	[dreg:$0xe] =	wrdreg s3  }
0x12: {  	p0 =	sne.s32 s5, $0x0;
	s25 =	sadd.s32 $0x25D00, s21;
	[dreg:$0xf] =	wrdreg s23  }
0x13: {  	s24 =	smul.u32 $0x27100, s7;
	s26 =	sadd.s32 $0x26200, s21;
	[dreg:$0x10] =	wrdreg s25  }
0x14: {  	s0 =	sadd.s32 s22, s0;
	s28 =	sadd.s32 $0x26700, s21;
	[dreg:$0x11] =	wrdreg s26  }
0x15: {  	s6 =	sadd.s32 s22, s6;
	s29 =	sadd.s32 $0x26C00, s21;
	[dreg:$0x12] =	wrdreg s28  }
0x16: {  	s22 =	simm.s32 $0x13;
	s0 =	sadd.s32 s24, s0;
	[dreg:$0x13] =	wrdreg s29  }
0x17: {  	s30 =	sadd.s32 s24, s6;
	s24 =	simm.s32 $0x50;
	[dreg:$0x6] =	wrdreg s0  }
0x18: {  	s17 =	simm.s32 $0x17;
	s21 =	simm.s32 $0xA;
	[dreg:$0x7] =	wrdreg s30  }
0x19: {  	s18 =	simm.s32 $0x9;
	s19 =	simm.s32 $0x12;
	s20 =	simm.s32 $0x18  }
0x1a: {  	s23 =	simm.s32 $0x19;
	s25 =	simm.s32 $0x14;
	s3 =	simm.s32 $0x0  }
.LBB2_1:
0x1b: {  	[dreg:$0x15] =	wrdreg s3  }
0x1c: {  	s0 =	rddreg [dreg:$0x9];
	s31 =	simm.s32 $0x780;
	s5 =	simm.s32 $0x1F  }
0x1d: {  	[tilespmem:s31], [sflag:$0x1F] =	stream.linear.gather [hbm4b:s0+s2], $0x2710, $0x38;
	[tilespmem:$0x1BF00] =	vst v63  }
0x1e: {  	_ =	swait.ge [sflag:s5], $0x2710  }
0x1f: {  	s26 =	sshrl.u32 @!p0 s1, $0x3;
	[sflag:s5] =	ssyncset.done $0x0  }
0x20: {  	s28 =	simm.s32 @!p0 $0x1C1F;
	s0 =	rddreg [dreg:$0x8];
	[sflag:s5] =	ssyncadd.s32 $0xFFFFD8F0  }
0x21: {  	[spmem:s26], [sflag:s28] =	dma.local @!p0 [hbm:s0], $0xF00  }
0x22: {  	s26 =	simm.s32 @!p0 $0x1F  }
0x23: {  	_ =	swait.ge @!p0 [sflag:s26], $0xF00  }
0x24: {  	[sflag:s26] =	ssyncset.done @!p0 $0x0  }
0x25: {  	[sflag:s26] =	ssyncadd.s32 @!p0 $0xFFFFF100  }
0x26: {  	[bflag:$0x0] =	sbarrier.arrive $0xFFFF  }
0x27: {  	s4 =	simm.s32 $0x2F00;
	s6 =	rddreg [dreg:$0xa]  }
0x28: {  	[tilespmem:s4], [sflag:$0x1] =	stream.linear.gather [hbm4b:s6+s2], $0x2800, $0x38;
	[tilespmem:$0x1BF00] =	vst v63  }
0x29: {  	s5 =	simm.s32 $0x5700;
	s7 =	rddreg [dreg:$0xb]  }
0x2a: {  	[tilespmem:s5], [sflag:$0x2] =	stream.linear.gather [hbm4b:s7+s2], $0x2800, $0x38;
	[tilespmem:$0x1BF00] =	vst v63  }
0x2b: {  	s8 =	rddreg [dreg:$0xc];
	s6 =	simm.s32 $0x7F00  }
0x2c: {  	[tilespmem:s6], [sflag:$0x3] =	stream.linear.gather [hbm4b:s8+s2], $0x2800, $0x38;
	[tilespmem:$0x1BF00] =	vst v63  }
0x2d: {  	s9 =	rddreg [dreg:$0xd];
	s7 =	simm.s32 $0xA700  }
0x2e: {  	[tilespmem:s7], [sflag:$0x4] =	stream.linear.gather [hbm4b:s9+s2], $0x2800, $0x38;
	[tilespmem:$0x1BF00] =	vst v63  }
0x2f: {  	s0 =	simm.s32 $0x1;
	s10 =	rddreg [dreg:$0xe];
	s8 =	simm.s32 $0xCF00  }
0x30: {  	[tilespmem:s8], [sflag:$0x5] =	stream.linear.gather [hbm4b:s10+s2], $0x2800, $0x38;
	[tilespmem:$0x1BF00] =	vst v63  }
0x31: {  	_ =	swait.ge [sflag:s0], $0x2800  }
0x32: {  	p1 =	por $0x1, $0x1;
	[sflag:s0] =	ssyncset.done $0x0  }
0x33: {  	s28 =	simm.s32 @!p1 $0x1A;
	[sflag:s0] =	ssyncadd.s32 $0xFFFFD800  }
0x34: {  	[tilespmem:s4], [sflag:$0xB] =	stream.indirect.gather.add.f32 [spmem:s1], $0x80, s31, s24, $0xb8;
	[tilespmem:$0x1BF00] =	vst v63  }
0x35: {  	_ =	swait.ge @!p1 [sflag:s28], $0x2800  }
0x36: {  	s11 =	rddreg [dreg:$0x6]  }
0x37: {  	s3 =	simm.s32 $0xF700;
	[sflag:s28] =	ssyncset.done @!p1 $0x0;
	s26 =	sadd.s32 $0x0, s11  }
0x38: {  	s9 =	simm.s32 $0x2;
	[sflag:s28] =	ssyncadd.s32 @!p1 $0xFFFFD800;
	s28 =	sadd.s32 $0x1900, s26  }
0x39: {  	[tilespmem:s3], [sflag:$0x6] =	stream.linear.gather [hbm4b:s28+s2], $0x2800, $0x38;
	[tilespmem:$0x1BF00] =	vst v63  }
0x3a: {  	_ =	swait.ge [sflag:s9], $0x2800  }
0x3b: {  	[sflag:s9] =	ssyncset.done $0x0  }
0x3c: {  	s12 =	simm.s32 $0xB;
	s28 =	simm.s32 $0x7D0;
	[sflag:s9] =	ssyncadd.s32 $0xFFFFD800  }
0x3d: {  	[tilespmem:s5], [sflag:$0xC] =	stream.indirect.gather.add.f32 [spmem:s1], $0x80, s28, s24, $0xb8;
	[tilespmem:$0x1BF00] =	vst v63  }
0x3e: {  	_ =	swait.ge [sflag:s12], $0x2800  }
0x3f: {  	s28 =	rddreg [dreg:$0x7];
	[sflag:s12] =	ssyncset.done $0x0  }
0x40: {  	[sflag:s12] =	ssyncadd.s32 $0xFFFFD800;
	s30 =	sadd.s32 $0x0, s28;
	s28 =	simm.s32 @!p1 $0x1B  }
0x41: {  	[hbm4b:s30+s2] =	stream.linear.scatter [tilespmem:s4], [sflag:$0x15], $0x2800, $0x38;
	[tilespmem:$0x1BF00] =	vst v63  }
0x42: {  	_ =	swait.ge @!p1 [sflag:s28], $0x2800  }
0x43: {  	s10 =	simm.s32 $0x3;
	[sflag:s28] =	ssyncset.done @!p1 $0x0  }
0x44: {  	s9 =	simm.s32 $0x11F00;
	[sflag:s28] =	ssyncadd.s32 @!p1 $0xFFFFD800;
	s28 =	sadd.s32 $0x1E00, s26  }
0x45: {  	[tilespmem:s9], [sflag:$0x7] =	stream.linear.gather [hbm4b:s28+s2], $0x2800, $0x38;
	[tilespmem:$0x1BF00] =	vst v63  }
0x46: {  	_ =	swait.ge [sflag:s10], $0x2800  }
0x47: {  	[sflag:s10] =	ssyncset.done $0x0  }
0x48: {  	s16 =	simm.s32 $0xC;
	s28 =	simm.s32 $0x820;
	[sflag:s10] =	ssyncadd.s32 $0xFFFFD800  }
0x49: {  	[tilespmem:s6], [sflag:$0xD] =	stream.indirect.gather.add.f32 [spmem:s1], $0x80, s28, s24, $0xb8;
	[tilespmem:$0x1BF00] =	vst v63  }
0x4a: {  	_ =	swait.ge [sflag:s16], $0x2800  }
0x4b: {  	[sflag:s16] =	ssyncset.done $0x0  }
0x4c: {  	s29 =	simm.s32 @!p1 $0x1C;
	s28 =	sadd.s32 $0x500, s30;
	[sflag:s16] =	ssyncadd.s32 $0xFFFFD800  }
0x4d: {  	[hbm4b:s28+s2] =	stream.linear.scatter [tilespmem:s5], [sflag:$0x16], $0x2800, $0x38;
	[tilespmem:$0x1BF00] =	vst v63  }
0x4e: {  	_ =	swait.ge @!p1 [sflag:s29], $0x2800  }
0x4f: {  	s11 =	simm.s32 $0x4;
	[sflag:s29] =	ssyncset.done @!p1 $0x0  }
0x50: {  	s10 =	simm.s32 $0x14700;
	s28 =	sadd.s32 $0x2300, s26;
	[sflag:s29] =	ssyncadd.s32 @!p1 $0xFFFFD800  }
0x51: {  	[tilespmem:s10], [sflag:$0x8] =	stream.linear.gather [hbm4b:s28+s2], $0x2800, $0x38;
	[tilespmem:$0x1BF00] =	vst v63  }
0x52: {  	_ =	swait.ge [sflag:s11], $0x2800  }
0x53: {  	[sflag:s11] =	ssyncset.done $0x0  }
0x54: {  	s31 =	simm.s32 $0xD;
	s28 =	simm.s32 $0x870;
	[sflag:s11] =	ssyncadd.s32 $0xFFFFD800  }
0x55: {  	[tilespmem:s7], [sflag:$0xE] =	stream.indirect.gather.add.f32 [spmem:s1], $0x80, s28, s24, $0xb8;
	[tilespmem:$0x1BF00] =	vst v63  }
0x56: {  	_ =	swait.ge [sflag:s31], $0x2800  }
0x57: {  	[sflag:s31] =	ssyncset.done $0x0  }
0x58: {  	s29 =	simm.s32 @!p1 $0x1D;
	s28 =	sadd.s32 $0xA00, s30;
	[sflag:s31] =	ssyncadd.s32 $0xFFFFD800  }
0x59: {  	[hbm4b:s28+s2] =	stream.linear.scatter [tilespmem:s6], [sflag:$0x17], $0x2800, $0x38;
	[tilespmem:$0x1BF00] =	vst v63  }
0x5a: {  	_ =	swait.ge @!p1 [sflag:s29], $0x2800  }
0x5b: {  	s16 =	simm.s32 $0x5;
	[sflag:s29] =	ssyncset.done @!p1 $0x0  }
0x5c: {  	s11 =	simm.s32 $0x16F00;
	s28 =	sadd.s32 $0x2800, s26;
	[sflag:s29] =	ssyncadd.s32 @!p1 $0xFFFFD800  }
0x5d: {  	[tilespmem:s11], [sflag:$0x9] =	stream.linear.gather [hbm4b:s28+s2], $0x2800, $0x38;
	[tilespmem:$0x1BF00] =	vst v63  }
0x5e: {  	_ =	swait.ge [sflag:s16], $0x2800  }
0x5f: {  	[sflag:s16] =	ssyncset.done $0x0  }
0x60: {  	s12 =	simm.s32 $0xE;
	s28 =	simm.s32 $0x8C0;
	[sflag:s16] =	ssyncadd.s32 $0xFFFFD800  }
0x61: {  	[tilespmem:s8], [sflag:$0xF] =	stream.indirect.gather.add.f32 [spmem:s1], $0x80, s28, s24, $0xb8;
	[tilespmem:$0x1BF00] =	vst v63  }
0x62: {  	_ =	swait.ge [sflag:s12], $0x2800  }
0x63: {  	[sflag:s12] =	ssyncset.done $0x0  }
0x64: {  	s29 =	simm.s32 @!p1 $0x1E;
	s28 =	sadd.s32 $0xF00, s30;
	[sflag:s12] =	ssyncadd.s32 $0xFFFFD800  }
0x65: {  	[hbm4b:s28+s2] =	stream.linear.scatter [tilespmem:s7], [sflag:$0x18], $0x2800, $0x38;
	[tilespmem:$0x1BF00] =	vst v63  }
0x66: {  	_ =	swait.ge @!p1 [sflag:s29], $0x2800  }
0x67: {  	s31 =	simm.s32 $0x6;
	[sflag:s29] =	ssyncset.done @!p1 $0x0  }
0x68: {  	s12 =	simm.s32 $0x19700;
	s28 =	sadd.s32 $0x2D00, s26;
	[sflag:s29] =	ssyncadd.s32 @!p1 $0xFFFFD800  }
0x69: {  	[tilespmem:s12], [sflag:$0xA] =	stream.linear.gather [hbm4b:s28+s2], $0x2800, $0x38;
	[tilespmem:$0x1BF00] =	vst v63  }
0x6a: {  	_ =	swait.ge [sflag:s31], $0x2800  }
0x6b: {  	[sflag:s31] =	ssyncset.done $0x0  }
0x6c: {  	s28 =	simm.s32 $0x910;
	[sflag:s31] =	ssyncadd.s32 $0xFFFFD800;
	s31 =	simm.s32 $0xF  }
0x6d: {  	[tilespmem:s3], [sflag:$0x10] =	stream.indirect.gather.add.f32 [spmem:s1], $0x80, s28, s24, $0xb8;
	[tilespmem:$0x1BF00] =	vst v63  }
0x6e: {  	_ =	swait.ge [sflag:s31], $0x2800  }
0x6f: {  	[sflag:s31] =	ssyncset.done $0x0  }
0x70: {  	s28 =	sadd.s32 $0x1400, s30;
	[sflag:s31] =	ssyncadd.s32 $0xFFFFD800;
	s31 =	simm.s32 $0x15  }
0x71: {  	[hbm4b:s28+s2] =	stream.linear.scatter [tilespmem:s8], [sflag:$0x19], $0x2800, $0x38;
	[tilespmem:$0x1BF00] =	vst v63  }
0x72: {  	_ =	swait.ge [sflag:s31], $0x2800  }
0x73: {  	[sflag:s31] =	ssyncset.done $0x0  }
0x74: {  	s28 =	sadd.s32 $0x3200, s26;
	[sflag:s31] =	ssyncadd.s32 $0xFFFFD800;
	s31 =	simm.s32 $0x7  }
0x75: {  	[tilespmem:s4], [sflag:$0x1] =	stream.linear.gather [hbm4b:s28+s2], $0x2800, $0x38;
	[tilespmem:$0x1BF00] =	vst v63  }
0x76: {  	_ =	swait.ge [sflag:s31], $0x2800  }
0x77: {  	[sflag:s31] =	ssyncset.done $0x0  }
0x78: {  	s28 =	simm.s32 $0x960;
	[sflag:s31] =	ssyncadd.s32 $0xFFFFD800;
	s31 =	simm.s32 $0x10  }
0x79: {  	[tilespmem:s9], [sflag:$0x11] =	stream.indirect.gather.add.f32 [spmem:s1], $0x80, s28, s24, $0xb8;
	[tilespmem:$0x1BF00] =	vst v63  }
0x7a: {  	_ =	swait.ge [sflag:s31], $0x2800  }
0x7b: {  	[sflag:s31] =	ssyncset.done $0x0  }
0x7c: {  	s28 =	sadd.s32 $0x1900, s30;
	[sflag:s31] =	ssyncadd.s32 $0xFFFFD800  }
0x7d: {  	[hbm4b:s28+s2] =	stream.linear.scatter [tilespmem:s3], [sflag:$0x1A], $0x2800, $0x38;
	[tilespmem:$0x1BF00] =	vst v63  }
0x7e: {  	_ =	swait.ge [sflag:s13], $0x2800  }
0x7f: {  	[sflag:s13] =	ssyncset.done $0x0  }
0x80: {  	s28 =	sadd.s32 $0x3700, s26;
	[sflag:s13] =	ssyncadd.s32 $0xFFFFD800  }
0x81: {  	[tilespmem:s5], [sflag:$0x2] =	stream.linear.gather [hbm4b:s28+s2], $0x2800, $0x38;
	[tilespmem:$0x1BF00] =	vst v63  }
0x82: {  	_ =	swait.ge [sflag:s14], $0x2800  }
0x83: {  	[sflag:s14] =	ssyncset.done $0x0  }
0x84: {  	s28 =	simm.s32 $0x9B0;
	[sflag:s14] =	ssyncadd.s32 $0xFFFFD800  }
0x85: {  	[tilespmem:s10], [sflag:$0x12] =	stream.indirect.gather.add.f32 [spmem:s1], $0x80, s28, s24, $0xb8;
	[tilespmem:$0x1BF00] =	vst v63  }
0x86: {  	_ =	swait.ge [sflag:s15], $0x2800  }
0x87: {  	[sflag:s15] =	ssyncset.done $0x0  }
0x88: {  	s28 =	sadd.s32 $0x1E00, s30;
	[sflag:s15] =	ssyncadd.s32 $0xFFFFD800  }
0x89: {  	[hbm4b:s28+s2] =	stream.linear.scatter [tilespmem:s9], [sflag:$0x1B], $0x2800, $0x38;
	[tilespmem:$0x1BF00] =	vst v63  }
0x8a: {  	_ =	swait.ge [sflag:s17], $0x2800  }
0x8b: {  	[sflag:s17] =	ssyncset.done $0x0  }
0x8c: {  	s28 =	sadd.s32 $0x3C00, s26;
	[sflag:s17] =	ssyncadd.s32 $0xFFFFD800  }
0x8d: {  	[tilespmem:s6], [sflag:$0x3] =	stream.linear.gather [hbm4b:s28+s2], $0x2800, $0x38;
	[tilespmem:$0x1BF00] =	vst v63  }
0x8e: {  	_ =	swait.ge [sflag:s18], $0x2800  }
0x8f: {  	[sflag:s18] =	ssyncset.done $0x0  }
0x90: {  	s28 =	simm.s32 $0xA00;
	[sflag:s18] =	ssyncadd.s32 $0xFFFFD800  }
0x91: {  	[tilespmem:s11], [sflag:$0x13] =	stream.indirect.gather.add.f32 [spmem:s1], $0x80, s28, s24, $0xb8;
	[tilespmem:$0x1BF00] =	vst v63  }
0x92: {  	_ =	swait.ge [sflag:s19], $0x2800  }
0x93: {  	[sflag:s19] =	ssyncset.done $0x0  }
0x94: {  	s28 =	sadd.s32 $0x2300, s30;
	[sflag:s19] =	ssyncadd.s32 $0xFFFFD800  }
0x95: {  	[hbm4b:s28+s2] =	stream.linear.scatter [tilespmem:s10], [sflag:$0x1C], $0x2800, $0x38;
	[tilespmem:$0x1BF00] =	vst v63  }
0x96: {  	_ =	swait.ge [sflag:s20], $0x2800  }
0x97: {  	[sflag:s20] =	ssyncset.done $0x0  }
0x98: {  	s28 =	sadd.s32 $0x4100, s26;
	[sflag:s20] =	ssyncadd.s32 $0xFFFFD800  }
0x99: {  	[tilespmem:s7], [sflag:$0x4] =	stream.linear.gather [hbm4b:s28+s2], $0x2800, $0x38;
	[tilespmem:$0x1BF00] =	vst v63  }
0x9a: {  	_ =	swait.ge [sflag:s21], $0x2800  }
0x9b: {  	[sflag:s21] =	ssyncset.done $0x0  }
0x9c: {  	s28 =	simm.s32 $0xA50;
	[sflag:s21] =	ssyncadd.s32 $0xFFFFD800  }
0x9d: {  	[tilespmem:s12], [sflag:$0x14] =	stream.indirect.gather.add.f32 [spmem:s1], $0x80, s28, s24, $0xb8;
	[tilespmem:$0x1BF00] =	vst v63  }
0x9e: {  	_ =	swait.ge [sflag:s22], $0x2800  }
0x9f: {  	[sflag:s22] =	ssyncset.done $0x0  }
0xa0: {  	s28 =	sadd.s32 $0x2800, s30;
	[sflag:s22] =	ssyncadd.s32 $0xFFFFD800  }
0xa1: {  	[hbm4b:s28+s2] =	stream.linear.scatter [tilespmem:s11], [sflag:$0x1D], $0x2800, $0x38;
	[tilespmem:$0x1BF00] =	vst v63  }
0xa2: {  	_ =	swait.ge [sflag:s23], $0x2800  }
0xa3: {  	[sflag:s23] =	ssyncset.done $0x0  }
0xa4: {  	s26 =	sadd.s32 $0x4600, s26;
	[sflag:s23] =	ssyncadd.s32 $0xFFFFD800  }
0xa5: {  	[tilespmem:s8], [sflag:$0x5] =	stream.linear.gather [hbm4b:s26+s2], $0x2800, $0x38;
	[tilespmem:$0x1BF00] =	vst v63  }
0xa6: {  	_ =	swait.ge [sflag:s0], $0x2800  }
0xa7: {  	[sflag:s0] =	ssyncset.done $0x0  }
0xa8: {  	p2 =	por $0x0, $0x0;
	s31 =	simm.s32 $0xAA0;
	[sflag:s0] =	ssyncadd.s32 $0xFFFFD800  }
0xa9: {  	[tilespmem:s4], [sflag:$0xB] =	stream.indirect.gather.add.f32 [spmem:s1], $0x80, s31, s24, $0xb8;
	[tilespmem:$0x1BF00] =	vst v63  }
0xaa: {  	s29 =	simm.s32 $0x6400;
	s30 =	sadd.s32 $0x2D00, s30;
	_ =	swait.ge [sflag:s25], $0x2800  }
0xab: {  	s28 =	simm.s32 $0x3200;
	s26 =	simm.s32 $0xDC0;
	[sflag:s25] =	ssyncset.done $0x0  }
.LBB2_2:
0xac: {  	s31 =	simm.s32 @!p2 $0x1A;
	[sflag:s25] =	ssyncadd.s32 $0xFFFFD800;
	s12 =	simm.s32 $0x19700  }
0xad: {  	[hbm4b:s30+s2] =	stream.linear.scatter [tilespmem:s12], [sflag:$0x1E], $0x2800, $0x38;
	[tilespmem:$0x1BF00] =	vst v63  }
0xae: {  	_ =	swait.ge @!p2 [sflag:s31], $0x2800  }
0xaf: {  	s30 =	rddreg [dreg:$0x6]  }
0xb0: {  	[sflag:s31] =	ssyncset.done @!p2 $0x0;
	s30 =	sadd.s32 s28, s30  }
0xb1: {  	s9 =	simm.s32 $0xF700;
	[sflag:s31] =	ssyncadd.s32 @!p2 $0xFFFFD800;
	s3 =	sadd.s32 $0x1900, s30  }
0xb2: {  	[tilespmem:s9], [sflag:$0x6] =	stream.linear.gather [hbm4b:s3+s2], $0x2800, $0x38;
	[tilespmem:$0x1BF00] =	vst v63  }
0xb3: {  	s3 =	simm.s32 $0x2  }
0xb4: {  	_ =	swait.ge [sflag:s3], $0x2800  }
0xb5: {  	s4 =	sadd.s32 $0xFFFFFD30, s26;
	[sflag:s3] =	ssyncset.done $0x0  }
0xb6: {  	s5 =	simm.s32 $0x5700;
	s6 =	simm.s32 $0xB;
	[sflag:s3] =	ssyncadd.s32 $0xFFFFD800  }
0xb7: {  	[tilespmem:s5], [sflag:$0xC] =	stream.indirect.gather.add.f32 [spmem:s1], $0x80, s4, s24, $0xb8;
	[tilespmem:$0x1BF00] =	vst v63  }
0xb8: {  	_ =	swait.ge [sflag:s6], $0x2800  }
0xb9: {  	s3 =	simm.s32 @!p2 $0x1B;
	s7 =	rddreg [dreg:$0x7];
	[sflag:s6] =	ssyncset.done $0x0  }
0xba: {  	s4 =	simm.s32 $0x2F00;
	[sflag:s6] =	ssyncadd.s32 $0xFFFFD800;
	s31 =	sadd.s32 s28, s7  }
0xbb: {  	[hbm4b:s31+s2] =	stream.linear.scatter [tilespmem:s4], [sflag:$0x15], $0x2800, $0x38;
	[tilespmem:$0x1BF00] =	vst v63  }
0xbc: {  	_ =	swait.ge @!p2 [sflag:s3], $0x2800  }
0xbd: {  	s10 =	simm.s32 $0x11F00;
	[sflag:s3] =	ssyncset.done @!p2 $0x0  }
0xbe: {  	s11 =	simm.s32 $0x3;
	s8 =	sadd.s32 $0x1E00, s30;
	[sflag:s3] =	ssyncadd.s32 @!p2 $0xFFFFD800  }
0xbf: {  	[tilespmem:s10], [sflag:$0x7] =	stream.linear.gather [hbm4b:s8+s2], $0x2800, $0x38;
	[tilespmem:$0x1BF00] =	vst v63  }
0xc0: {  	_ =	swait.ge [sflag:s11], $0x2800  }
0xc1: {  	s16 =	sadd.s32 $0xFFFFFD80, s26;
	[sflag:s11] =	ssyncset.done $0x0  }
0xc2: {  	s6 =	simm.s32 $0x7F00;
	s3 =	simm.s32 $0xC;
	[sflag:s11] =	ssyncadd.s32 $0xFFFFD800  }
0xc3: {  	[tilespmem:s6], [sflag:$0xD] =	stream.indirect.gather.add.f32 [spmem:s1], $0x80, s16, s24, $0xb8;
	[tilespmem:$0x1BF00] =	vst v63  }
0xc4: {  	_ =	swait.ge [sflag:s3], $0x2800  }
0xc5: {  	[sflag:s3] =	ssyncset.done $0x0  }
0xc6: {  	s7 =	sadd.s32 $0x500, s31;
	[sflag:s3] =	ssyncadd.s32 $0xFFFFD800;
	s3 =	simm.s32 @!p2 $0x1C  }
0xc7: {  	[hbm4b:s7+s2] =	stream.linear.scatter [tilespmem:s5], [sflag:$0x16], $0x2800, $0x38;
	[tilespmem:$0x1BF00] =	vst v63  }
0xc8: {  	_ =	swait.ge @!p2 [sflag:s3], $0x2800  }
0xc9: {  	s8 =	sadd.s32 $0x2300, s30;
	[sflag:s3] =	ssyncset.done @!p2 $0x0  }
0xca: {  	s11 =	simm.s32 $0x14700;
	s16 =	simm.s32 $0x4;
	[sflag:s3] =	ssyncadd.s32 @!p2 $0xFFFFD800  }
0xcb: {  	[tilespmem:s11], [sflag:$0x8] =	stream.linear.gather [hbm4b:s8+s2], $0x2800, $0x38;
	[tilespmem:$0x1BF00] =	vst v63  }
0xcc: {  	_ =	swait.ge [sflag:s16], $0x2800  }
0xcd: {  	s7 =	simm.s32 $0xA700;
	[sflag:s16] =	ssyncset.done $0x0  }
0xce: {  	s3 =	sadd.s32 $0xFFFFFDD0, s26;
	s8 =	simm.s32 $0xD;
	[sflag:s16] =	ssyncadd.s32 $0xFFFFD800  }
0xcf: {  	[tilespmem:s7], [sflag:$0xE] =	stream.indirect.gather.add.f32 [spmem:s1], $0x80, s3, s24, $0xb8;
	[tilespmem:$0x1BF00] =	vst v63  }
0xd0: {  	_ =	swait.ge [sflag:s8], $0x2800  }
0xd1: {  	[sflag:s8] =	ssyncset.done $0x0  }
0xd2: {  	s16 =	sadd.s32 $0xA00, s31;
	s3 =	simm.s32 @!p2 $0x1D;
	[sflag:s8] =	ssyncadd.s32 $0xFFFFD800  }
0xd3: {  	[hbm4b:s16+s2] =	stream.linear.scatter [tilespmem:s6], [sflag:$0x17], $0x2800, $0x38;
	[tilespmem:$0x1BF00] =	vst v63  }
0xd4: {  	_ =	swait.ge @!p2 [sflag:s3], $0x2800  }
0xd5: {  	s8 =	simm.s32 $0x5;
	[sflag:s3] =	ssyncset.done @!p2 $0x0  }
0xd6: {  	s16 =	simm.s32 $0x16F00;
	[sflag:s3] =	ssyncadd.s32 @!p2 $0xFFFFD800;
	s3 =	sadd.s32 $0x2800, s30  }
0xd7: {  	[tilespmem:s16], [sflag:$0x9] =	stream.linear.gather [hbm4b:s3+s2], $0x2800, $0x38;
	[tilespmem:$0x1BF00] =	vst v63  }
0xd8: {  	_ =	swait.ge [sflag:s8], $0x2800  }
0xd9: {  	[sflag:s8] =	ssyncset.done $0x0  }
0xda: {  	s3 =	sadd.s32 $0xFFFFFE20, s26;
	[sflag:s8] =	ssyncadd.s32 $0xFFFFD800;
	s8 =	simm.s32 $0xCF00  }
0xdb: {  	[tilespmem:s8], [sflag:$0xF] =	stream.indirect.gather.add.f32 [spmem:s1], $0x80, s3, s24, $0xb8;
	[tilespmem:$0x1BF00] =	vst v63  }
0xdc: {  	s3 =	simm.s32 $0xE  }
0xdd: {  	s0 =	smov.u32 s29;
	_ =	swait.ge [sflag:s3], $0x2800  }
0xde: {  	s28 =	smov.u32 s0;
	[sflag:s3] =	ssyncset.done $0x0  }
0xdf: {  	s0 =	sadd.s32 $0xF00, s31;
	[sflag:s3] =	ssyncadd.s32 $0xFFFFD800;
	s3 =	simm.s32 @!p2 $0x1E  }
0xe0: {  	[hbm4b:s0+s2] =	stream.linear.scatter [tilespmem:s7], [sflag:$0x18], $0x2800, $0x38;
	[tilespmem:$0x1BF00] =	vst v63  }
0xe1: {  	_ =	swait.ge @!p2 [sflag:s3], $0x2800  }
0xe2: {  	[sflag:s3] =	ssyncset.done @!p2 $0x0  }
0xe3: {  	[sflag:s3] =	ssyncadd.s32 @!p2 $0xFFFFD800;
	s3 =	sadd.s32 $0x2D00, s30  }
0xe4: {  	[tilespmem:s12], [sflag:$0xA] =	stream.linear.gather [hbm4b:s3+s2], $0x2800, $0x38;
	[tilespmem:$0x1BF00] =	vst v63  }
0xe5: {  	s3 =	simm.s32 $0x6  }
0xe6: {  	_ =	swait.ge [sflag:s3], $0x2800  }
0xe7: {  	[sflag:s3] =	ssyncset.done $0x0  }
0xe8: {  	[sflag:s3] =	ssyncadd.s32 $0xFFFFD800;
	s3 =	sadd.s32 $0xFFFFFE70, s26  }
0xe9: {  	[tilespmem:s9], [sflag:$0x10] =	stream.indirect.gather.add.f32 [spmem:s1], $0x80, s3, s24, $0xb8;
	[tilespmem:$0x1BF00] =	vst v63  }
0xea: {  	s3 =	simm.s32 $0xF  }
0xeb: {  	_ =	swait.ge [sflag:s3], $0x2800  }
0xec: {  	[sflag:s3] =	ssyncset.done $0x0  }
0xed: {  	[sflag:s3] =	ssyncadd.s32 $0xFFFFD800;
	s3 =	sadd.s32 $0x1400, s31  }
0xee: {  	[hbm4b:s3+s2] =	stream.linear.scatter [tilespmem:s8], [sflag:$0x19], $0x2800, $0x38;
	[tilespmem:$0x1BF00] =	vst v63  }
0xef: {  	s3 =	simm.s32 $0x15  }
0xf0: {  	_ =	swait.ge [sflag:s3], $0x2800  }
0xf1: {  	[sflag:s3] =	ssyncset.done $0x0  }
0xf2: {  	[sflag:s3] =	ssyncadd.s32 $0xFFFFD800;
	s3 =	sadd.s32 $0x3200, s30  }
0xf3: {  	[tilespmem:s4], [sflag:$0x1] =	stream.linear.gather [hbm4b:s3+s2], $0x2800, $0x38;
	[tilespmem:$0x1BF00] =	vst v63  }
0xf4: {  	s3 =	simm.s32 $0x7  }
0xf5: {  	_ =	swait.ge [sflag:s3], $0x2800  }
0xf6: {  	[sflag:s3] =	ssyncset.done $0x0  }
0xf7: {  	[sflag:s3] =	ssyncadd.s32 $0xFFFFD800;
	s3 =	sadd.s32 $0xFFFFFEC0, s26  }
0xf8: {  	[tilespmem:s10], [sflag:$0x11] =	stream.indirect.gather.add.f32 [spmem:s1], $0x80, s3, s24, $0xb8;
	[tilespmem:$0x1BF00] =	vst v63  }
0xf9: {  	s3 =	simm.s32 $0x10  }
0xfa: {  	_ =	swait.ge [sflag:s3], $0x2800  }
0xfb: {  	[sflag:s3] =	ssyncset.done $0x0  }
0xfc: {  	[sflag:s3] =	ssyncadd.s32 $0xFFFFD800;
	s3 =	sadd.s32 $0x1900, s31  }
0xfd: {  	[hbm4b:s3+s2] =	stream.linear.scatter [tilespmem:s9], [sflag:$0x1A], $0x2800, $0x38;
	[tilespmem:$0x1BF00] =	vst v63  }
0xfe: {  	_ =	swait.ge [sflag:s13], $0x2800  }
0xff: {  	[sflag:s13] =	ssyncset.done $0x0  }
0x100: {  	s3 =	sadd.s32 $0x3700, s30;
	[sflag:s13] =	ssyncadd.s32 $0xFFFFD800  }
0x101: {  	[tilespmem:s5], [sflag:$0x2] =	stream.linear.gather [hbm4b:s3+s2], $0x2800, $0x38;
	[tilespmem:$0x1BF00] =	vst v63  }
0x102: {  	_ =	swait.ge [sflag:s14], $0x2800  }
0x103: {  	[sflag:s14] =	ssyncset.done $0x0  }
0x104: {  	s5 =	sadd.s32 $0xFFFFFF10, s26;
	[sflag:s14] =	ssyncadd.s32 $0xFFFFD800  }
0x105: {  	[tilespmem:s11], [sflag:$0x12] =	stream.indirect.gather.add.f32 [spmem:s1], $0x80, s5, s24, $0xb8;
	[tilespmem:$0x1BF00] =	vst v63  }
0x106: {  	_ =	swait.ge [sflag:s15], $0x2800  }
0x107: {  	[sflag:s15] =	ssyncset.done $0x0  }
0x108: {  	s9 =	sadd.s32 $0x1E00, s31;
	[sflag:s15] =	ssyncadd.s32 $0xFFFFD800  }
0x109: {  	[hbm4b:s9+s2] =	stream.linear.scatter [tilespmem:s10], [sflag:$0x1B], $0x2800, $0x38;
	[tilespmem:$0x1BF00] =	vst v63  }
0x10a: {  	_ =	swait.ge [sflag:s17], $0x2800  }
0x10b: {  	[sflag:s17] =	ssyncset.done $0x0  }
0x10c: {  	s3 =	sadd.s32 $0x3C00, s30;
	[sflag:s17] =	ssyncadd.s32 $0xFFFFD800  }
0x10d: {  	[tilespmem:s6], [sflag:$0x3] =	stream.linear.gather [hbm4b:s3+s2], $0x2800, $0x38;
	[tilespmem:$0x1BF00] =	vst v63  }
0x10e: {  	_ =	swait.ge [sflag:s18], $0x2800  }
0x10f: {  	[sflag:s18] =	ssyncset.done $0x0  }
0x110: {  	s5 =	sadd.s32 $0xFFFFFF60, s26;
	[sflag:s18] =	ssyncadd.s32 $0xFFFFD800  }
0x111: {  	[tilespmem:s16], [sflag:$0x13] =	stream.indirect.gather.add.f32 [spmem:s1], $0x80, s5, s24, $0xb8;
	[tilespmem:$0x1BF00] =	vst v63  }
0x112: {  	_ =	swait.ge [sflag:s19], $0x2800  }
0x113: {  	[sflag:s19] =	ssyncset.done $0x0  }
0x114: {  	s6 =	sadd.s32 $0x2300, s31;
	[sflag:s19] =	ssyncadd.s32 $0xFFFFD800  }
0x115: {  	[hbm4b:s6+s2] =	stream.linear.scatter [tilespmem:s11], [sflag:$0x1C], $0x2800, $0x38;
	[tilespmem:$0x1BF00] =	vst v63  }
0x116: {  	_ =	swait.ge [sflag:s20], $0x2800  }
0x117: {  	[sflag:s20] =	ssyncset.done $0x0  }
0x118: {  	s9 =	sadd.s32 $0x4100, s30;
	[sflag:s20] =	ssyncadd.s32 $0xFFFFD800  }
0x119: {  	[tilespmem:s7], [sflag:$0x4] =	stream.linear.gather [hbm4b:s9+s2], $0x2800, $0x38;
	[tilespmem:$0x1BF00] =	vst v63  }
0x11a: {  	_ =	swait.ge [sflag:s21], $0x2800  }
0x11b: {  	[sflag:s21] =	ssyncset.done $0x0  }
0x11c: {  	s10 =	sadd.s32 $0xFFFFFFB0, s26;
	[sflag:s21] =	ssyncadd.s32 $0xFFFFD800  }
0x11d: {  	[tilespmem:s12], [sflag:$0x14] =	stream.indirect.gather.add.f32 [spmem:s1], $0x80, s10, s24, $0xb8;
	[tilespmem:$0x1BF00] =	vst v63  }
0x11e: {  	_ =	swait.ge [sflag:s22], $0x2800  }
0x11f: {  	[sflag:s22] =	ssyncset.done $0x0  }
0x120: {  	s11 =	sadd.s32 $0x2800, s31;
	[sflag:s22] =	ssyncadd.s32 $0xFFFFD800  }
0x121: {  	[hbm4b:s11+s2] =	stream.linear.scatter [tilespmem:s16], [sflag:$0x1D], $0x2800, $0x38;
	[tilespmem:$0x1BF00] =	vst v63  }
0x122: {  	_ =	swait.ge [sflag:s23], $0x2800  }
0x123: {  	s29 =	sadd.s32 $0x3200, s29;
	[sflag:s23] =	ssyncset.done $0x0  }
0x124: {  	s12 =	sadd.s32 $0x4600, s30;
	s16 =	simm.s32 $0x1;
	[sflag:s23] =	ssyncadd.s32 $0xFFFFD800  }
0x125: {  	[tilespmem:s8], [sflag:$0x5] =	stream.linear.gather [hbm4b:s12+s2], $0x2800, $0x38;
	[tilespmem:$0x1BF00] =	vst v63  }
0x126: {  	p1 =	sne.s32 s29, $0x25800;
	_ =	swait.ge [sflag:s16], $0x2800  }
.Ltmp0:
0x127: {  	[sflag:s16] =	ssyncset.done $0x0;
	(pc) =	sbr.rel @p1 .LBB2_2-.Ltmp0, $4  }
0x128: {  	[sflag:s16] =	ssyncadd.s32 $0xFFFFD800  }
0x129: {  	[tilespmem:s4], [sflag:$0xB] =	stream.indirect.gather.add.f32 [spmem:s1], $0x80, s26, s24, $0xb8;
	[tilespmem:$0x1BF00] =	vst v63  }
0x12a: {  	p2 =	seq.s32 s28, $0x0;
	_ =	swait.ge [sflag:s25], $0x2800  }
0x12b: {  	s30 =	sadd.s32 $0x2D00, s31;
	s26 =	sadd.s32 $0x320, s26;
	[sflag:s25] =	ssyncset.done $0x0  }
0x12c: {  	s0 =	simm.s32 @!p2 $0x1A;
	[sflag:s25] =	ssyncadd.s32 $0xFFFFD800;
	s3 =	simm.s32 $0x19700  }
0x12d: {  	[hbm4b:s30+s2] =	stream.linear.scatter [tilespmem:s3], [sflag:$0x1E], $0x2800, $0x38;
	[tilespmem:$0x1BF00] =	vst v63  }
0x12e: {  	_ =	swait.ge @!p2 [sflag:s0], $0x2800  }
0x12f: {  	s5 =	rddreg [dreg:$0x6]  }
0x130: {  	s7 =	simm.s32 $0xF700;
	[sflag:s0] =	ssyncset.done @!p2 $0x0;
	s29 =	sadd.s32 s28, s5  }
0x131: {  	s10 =	simm.s32 $0x2;
	[sflag:s0] =	ssyncadd.s32 @!p2 $0xFFFFD800;
	s6 =	sadd.s32 $0x1900, s29  }
0x132: {  	[tilespmem:s7], [sflag:$0x6] =	stream.linear.gather [hbm4b:s6+s2], $0x2800, $0x38;
	[tilespmem:$0x1BF00] =	vst v63  }
0x133: {  	_ =	swait.ge [sflag:s10], $0x2800  }
0x134: {  	s8 =	sadd.s32 $0xFFFFFD30, s26;
	[sflag:s10] =	ssyncset.done $0x0  }
0x135: {  	s9 =	simm.s32 $0x5700;
	s30 =	simm.s32 $0xB;
	[sflag:s10] =	ssyncadd.s32 $0xFFFFD800  }
0x136: {  	[tilespmem:s9], [sflag:$0xC] =	stream.indirect.gather.add.f32 [spmem:s1], $0x80, s8, s24, $0xb8;
	[tilespmem:$0x1BF00] =	vst v63  }
0x137: {  	_ =	swait.ge [sflag:s30], $0x2800  }
0x138: {  	s12 =	simm.s32 $0x2F00;
	s11 =	rddreg [dreg:$0x7];
	[sflag:s30] =	ssyncset.done $0x0  }
0x139: {  	s0 =	simm.s32 @!p2 $0x1B;
	[sflag:s30] =	ssyncadd.s32 $0xFFFFD800;
	s28 =	sadd.s32 s28, s11  }
0x13a: {  	[hbm4b:s28+s2] =	stream.linear.scatter [tilespmem:s12], [sflag:$0x15], $0x2800, $0x38;
	[tilespmem:$0x1BF00] =	vst v63  }
0x13b: {  	_ =	swait.ge @!p2 [sflag:s0], $0x2800  }
0x13c: {  	[sflag:s0] =	ssyncset.done @!p2 $0x0  }
0x13d: {  	s31 =	simm.s32 $0x11F00;
	s16 =	sadd.s32 $0x1E00, s29;
	[sflag:s0] =	ssyncadd.s32 @!p2 $0xFFFFD800  }
0x13e: {  	[tilespmem:s31], [sflag:$0x7] =	stream.linear.gather [hbm4b:s16+s2], $0x2800, $0x38;
	[tilespmem:$0x1BF00] =	vst v63  }
0x13f: {  	s31 =	simm.s32 $0x3  }
0x140: {  	_ =	swait.ge [sflag:s31], $0x2800  }
0x141: {  	s3 =	sadd.s32 $0xFFFFFD80, s26;
	[sflag:s31] =	ssyncset.done $0x0  }
0x142: {  	s5 =	simm.s32 $0x7F00;
	s12 =	simm.s32 $0xC;
	[sflag:s31] =	ssyncadd.s32 $0xFFFFD800  }
0x143: {  	[tilespmem:s5], [sflag:$0xD] =	stream.indirect.gather.add.f32 [spmem:s1], $0x80, s3, s24, $0xb8;
	[tilespmem:$0x1BF00] =	vst v63  }
0x144: {  	_ =	swait.ge [sflag:s12], $0x2800  }
0x145: {  	s4 =	simm.s32 $0x5700;
	[sflag:s12] =	ssyncset.done $0x0  }
0x146: {  	s6 =	sadd.s32 $0x500, s28;
	s0 =	simm.s32 @!p2 $0x1C;
	[sflag:s12] =	ssyncadd.s32 $0xFFFFD800  }
0x147: {  	[hbm4b:s6+s2] =	stream.linear.scatter [tilespmem:s4], [sflag:$0x16], $0x2800, $0x38;
	[tilespmem:$0x1BF00] =	vst v63  }
0x148: {  	_ =	swait.ge @!p2 [sflag:s0], $0x2800  }
0x149: {  	s7 =	sadd.s32 $0x2300, s29;
	[sflag:s0] =	ssyncset.done @!p2 $0x0  }
0x14a: {  	s8 =	simm.s32 $0x14700;
	s11 =	simm.s32 $0x4;
	[sflag:s0] =	ssyncadd.s32 @!p2 $0xFFFFD800  }
0x14b: {  	[tilespmem:s8], [sflag:$0x8] =	stream.linear.gather [hbm4b:s7+s2], $0x2800, $0x38;
	[tilespmem:$0x1BF00] =	vst v63  }
0x14c: {  	_ =	swait.ge [sflag:s11], $0x2800  }
0x14d: {  	[sflag:s11] =	ssyncset.done $0x0  }
0x14e: {  	s9 =	sadd.s32 $0xFFFFFDD0, s26;
	s16 =	simm.s32 $0xA700;
	[sflag:s11] =	ssyncadd.s32 $0xFFFFD800  }
0x14f: {  	[tilespmem:s16], [sflag:$0xE] =	stream.indirect.gather.add.f32 [spmem:s1], $0x80, s9, s24, $0xb8;
	[tilespmem:$0x1BF00] =	vst v63  }
0x150: {  	s9 =	simm.s32 $0xD  }
0x151: {  	_ =	swait.ge [sflag:s9], $0x2800  }
0x152: {  	s5 =	simm.s32 $0x7F00;
	[sflag:s9] =	ssyncset.done $0x0  }
0x153: {  	s3 =	sadd.s32 $0xA00, s28;
	s0 =	simm.s32 @!p2 $0x1D;
	[sflag:s9] =	ssyncadd.s32 $0xFFFFD800  }
0x154: {  	[hbm4b:s3+s2] =	stream.linear.scatter [tilespmem:s5], [sflag:$0x17], $0x2800, $0x38;
	[tilespmem:$0x1BF00] =	vst v63  }
0x155: {  	_ =	swait.ge @!p2 [sflag:s0], $0x2800  }
0x156: {  	s7 =	simm.s32 $0x5;
	[sflag:s0] =	ssyncset.done @!p2 $0x0  }
0x157: {  	s16 =	simm.s32 $0x16F00;
	s5 =	sadd.s32 $0x2800, s29;
	[sflag:s0] =	ssyncadd.s32 @!p2 $0xFFFFD800  }
0x158: {  	[tilespmem:s16], [sflag:$0x9] =	stream.linear.gather [hbm4b:s5+s2], $0x2800, $0x38;
	[tilespmem:$0x1BF00] =	vst v63  }
0x159: {  	_ =	swait.ge [sflag:s7], $0x2800  }
0x15a: {  	[sflag:s7] =	ssyncset.done $0x0  }
0x15b: {  	s6 =	sadd.s32 $0xFFFFFE20, s26;
	s8 =	simm.s32 $0xCF00;
	[sflag:s7] =	ssyncadd.s32 $0xFFFFD800  }
0x15c: {  	[tilespmem:s8], [sflag:$0xF] =	stream.indirect.gather.add.f32 [spmem:s1], $0x80, s6, s24, $0xb8;
	[tilespmem:$0x1BF00] =	vst v63  }
0x15d: {  	s6 =	simm.s32 $0xE  }
0x15e: {  	_ =	swait.ge [sflag:s6], $0x2800  }
0x15f: {  	s4 =	simm.s32 $0xA700;
	[sflag:s6] =	ssyncset.done $0x0  }
0x160: {  	s3 =	sadd.s32 $0xF00, s28;
	s0 =	simm.s32 @!p2 $0x1E;
	[sflag:s6] =	ssyncadd.s32 $0xFFFFD800  }
0x161: {  	[hbm4b:s3+s2] =	stream.linear.scatter [tilespmem:s4], [sflag:$0x18], $0x2800, $0x38;
	[tilespmem:$0x1BF00] =	vst v63  }
0x162: {  	_ =	swait.ge @!p2 [sflag:s0], $0x2800  }
0x163: {  	[sflag:s0] =	ssyncset.done @!p2 $0x0  }
0x164: {  	s5 =	simm.s32 $0x19700;
	s4 =	sadd.s32 $0x2D00, s29;
	[sflag:s0] =	ssyncadd.s32 @!p2 $0xFFFFD800  }
0x165: {  	[tilespmem:s5], [sflag:$0xA] =	stream.linear.gather [hbm4b:s4+s2], $0x2800, $0x38;
	[tilespmem:$0x1BF00] =	vst v63  }
0x166: {  	s4 =	simm.s32 $0x6  }
0x167: {  	_ =	swait.ge [sflag:s4], $0x2800  }
0x168: {  	[sflag:s4] =	ssyncset.done $0x0  }
0x169: {  	s3 =	simm.s32 $0xF700;
	s5 =	sadd.s32 $0xFFFFFE70, s26;
	[sflag:s4] =	ssyncadd.s32 $0xFFFFD800  }
0x16a: {  	[tilespmem:s3], [sflag:$0x10] =	stream.indirect.gather.add.f32 [spmem:s1], $0x80, s5, s24, $0xb8;
	[tilespmem:$0x1BF00] =	vst v63  }
0x16b: {  	s5 =	simm.s32 $0xF  }
0x16c: {  	_ =	swait.ge [sflag:s5], $0x2800  }
0x16d: {  	[sflag:s5] =	ssyncset.done $0x0  }
0x16e: {  	s8 =	simm.s32 $0xCF00;
	s4 =	sadd.s32 $0x1400, s28;
	[sflag:s5] =	ssyncadd.s32 $0xFFFFD800  }
0x16f: {  	[hbm4b:s4+s2] =	stream.linear.scatter [tilespmem:s8], [sflag:$0x19], $0x2800, $0x38;
	[tilespmem:$0x1BF00] =	vst v63  }
0x170: {  	s8 =	simm.s32 $0x15  }
0x171: {  	_ =	swait.ge [sflag:s8], $0x2800  }
0x172: {  	[sflag:s8] =	ssyncset.done $0x0  }
0x173: {  	s0 =	sadd.s32 $0x3200, s29;
	s4 =	simm.s32 $0x2F00;
	[sflag:s8] =	ssyncadd.s32 $0xFFFFD800  }
0x174: {  	[tilespmem:s4], [sflag:$0x1] =	stream.linear.gather [hbm4b:s0+s2], $0x2800, $0x38;
	[tilespmem:$0x1BF00] =	vst v63  }
0x175: {  	s4 =	simm.s32 $0x7  }
0x176: {  	_ =	swait.ge [sflag:s4], $0x2800  }
0x177: {  	[sflag:s4] =	ssyncset.done $0x0  }
0x178: {  	s0 =	sadd.s32 $0xFFFFFEC0, s26;
	[sflag:s4] =	ssyncadd.s32 $0xFFFFD800;
	s4 =	simm.s32 $0x11F00  }
0x179: {  	[tilespmem:s4], [sflag:$0x11] =	stream.indirect.gather.add.f32 [spmem:s1], $0x80, s0, s24, $0xb8;
	[tilespmem:$0x1BF00] =	vst v63  }
0x17a: {  	s0 =	simm.s32 $0x10  }
0x17b: {  	_ =	swait.ge [sflag:s0], $0x2800  }
0x17c: {  	[sflag:s0] =	ssyncset.done $0x0  }
0x17d: {  	[sflag:s0] =	ssyncadd.s32 $0xFFFFD800;
	s0 =	sadd.s32 $0x1900, s28  }
0x17e: {  	[hbm4b:s0+s2] =	stream.linear.scatter [tilespmem:s3], [sflag:$0x1A], $0x2800, $0x38;
	[tilespmem:$0x1BF00] =	vst v63  }
0x17f: {  	_ =	swait.ge [sflag:s13], $0x2800  }
0x180: {  	[sflag:s13] =	ssyncset.done $0x0  }
0x181: {  	s0 =	sadd.s32 $0x3700, s29;
	s3 =	simm.s32 $0x5700;
	[sflag:s13] =	ssyncadd.s32 $0xFFFFD800  }
0x182: {  	[tilespmem:s3], [sflag:$0x2] =	stream.linear.gather [hbm4b:s0+s2], $0x2800, $0x38;
	[tilespmem:$0x1BF00] =	vst v63  }
0x183: {  	_ =	swait.ge [sflag:s14], $0x2800  }
0x184: {  	[sflag:s14] =	ssyncset.done $0x0  }
0x185: {  	s0 =	sadd.s32 $0xFFFFFF10, s26;
	s3 =	simm.s32 $0x14700;
	[sflag:s14] =	ssyncadd.s32 $0xFFFFD800  }
0x186: {  	[tilespmem:s3], [sflag:$0x12] =	stream.indirect.gather.add.f32 [spmem:s1], $0x80, s0, s24, $0xb8;
	[tilespmem:$0x1BF00] =	vst v63  }
0x187: {  	_ =	swait.ge [sflag:s15], $0x2800  }
0x188: {  	[sflag:s15] =	ssyncset.done $0x0  }
0x189: {  	s0 =	sadd.s32 $0x1E00, s28;
	[sflag:s15] =	ssyncadd.s32 $0xFFFFD800  }
0x18a: {  	[hbm4b:s0+s2] =	stream.linear.scatter [tilespmem:s4], [sflag:$0x1B], $0x2800, $0x38;
	[tilespmem:$0x1BF00] =	vst v63  }
0x18b: {  	_ =	swait.ge [sflag:s17], $0x2800  }
0x18c: {  	[sflag:s17] =	ssyncset.done $0x0  }
0x18d: {  	s0 =	sadd.s32 $0x3C00, s29;
	s4 =	simm.s32 $0x7F00;
	[sflag:s17] =	ssyncadd.s32 $0xFFFFD800  }
0x18e: {  	[tilespmem:s4], [sflag:$0x3] =	stream.linear.gather [hbm4b:s0+s2], $0x2800, $0x38;
	[tilespmem:$0x1BF00] =	vst v63  }
0x18f: {  	_ =	swait.ge [sflag:s18], $0x2800  }
0x190: {  	[sflag:s18] =	ssyncset.done $0x0  }
0x191: {  	s4 =	sadd.s32 $0xFFFFFF60, s26;
	[sflag:s18] =	ssyncadd.s32 $0xFFFFD800  }
0x192: {  	[tilespmem:s16], [sflag:$0x13] =	stream.indirect.gather.add.f32 [spmem:s1], $0x80, s4, s24, $0xb8;
	[tilespmem:$0x1BF00] =	vst v63  }
0x193: {  	_ =	swait.ge [sflag:s19], $0x2800  }
0x194: {  	[sflag:s19] =	ssyncset.done $0x0  }
0x195: {  	s4 =	sadd.s32 $0x2300, s28;
	[sflag:s19] =	ssyncadd.s32 $0xFFFFD800  }
0x196: {  	[hbm4b:s4+s2] =	stream.linear.scatter [tilespmem:s3], [sflag:$0x1C], $0x2800, $0x38;
	[tilespmem:$0x1BF00] =	vst v63  }
0x197: {  	_ =	swait.ge [sflag:s20], $0x2800  }
0x198: {  	[sflag:s20] =	ssyncset.done $0x0  }
0x199: {  	s3 =	sadd.s32 $0x4100, s29;
	s4 =	simm.s32 $0xA700;
	[sflag:s20] =	ssyncadd.s32 $0xFFFFD800  }
0x19a: {  	[tilespmem:s4], [sflag:$0x4] =	stream.linear.gather [hbm4b:s3+s2], $0x2800, $0x38;
	[tilespmem:$0x1BF00] =	vst v63  }
0x19b: {  	_ =	swait.ge [sflag:s21], $0x2800  }
0x19c: {  	[sflag:s21] =	ssyncset.done $0x0  }
0x19d: {  	s4 =	sadd.s32 $0xFFFFFFB0, s26;
	s3 =	simm.s32 $0x19700;
	[sflag:s21] =	ssyncadd.s32 $0xFFFFD800  }
0x19e: {  	[tilespmem:s3], [sflag:$0x14] =	stream.indirect.gather.add.f32 [spmem:s1], $0x80, s4, s24, $0xb8;
	[tilespmem:$0x1BF00] =	vst v63  }
0x19f: {  	_ =	swait.ge [sflag:s22], $0x2800  }
0x1a0: {  	[sflag:s22] =	ssyncset.done $0x0  }
0x1a1: {  	s4 =	sadd.s32 $0x2800, s28;
	[sflag:s22] =	ssyncadd.s32 $0xFFFFD800  }
0x1a2: {  	[hbm4b:s4+s2] =	stream.linear.scatter [tilespmem:s16], [sflag:$0x1D], $0x2800, $0x38;
	[tilespmem:$0x1BF00] =	vst v63  }
0x1a3: {  	_ =	swait.ge [sflag:s23], $0x2800  }
0x1a4: {  	[sflag:s23] =	ssyncset.done $0x0  }
0x1a5: {  	s16 =	sadd.s32 $0x4600, s29;
	s29 =	simm.s32 $0xCF00;
	[sflag:s23] =	ssyncadd.s32 $0xFFFFD800  }
0x1a6: {  	[tilespmem:s29], [sflag:$0x5] =	stream.linear.gather [hbm4b:s16+s2], $0x2800, $0x38;
	[tilespmem:$0x1BF00] =	vst v63  }
0x1a7: {  	s16 =	simm.s32 $0x1  }
0x1a8: {  	_ =	swait.ge [sflag:s16], $0x2800  }
0x1a9: {  	[sflag:s16] =	ssyncset.done $0x0  }
0x1aa: {  	[sflag:s16] =	ssyncadd.s32 $0xFFFFD800;
	s16 =	simm.s32 $0x2F00  }
0x1ab: {  	[tilespmem:s16], [sflag:$0xB] =	stream.indirect.gather.add.f32 [spmem:s1], $0x80, s26, s24, $0xb8;
	[tilespmem:$0x1BF00] =	vst v63  }
0x1ac: {  	_ =	swait.ge [sflag:s25], $0x2800  }
0x1ad: {  	[sflag:s25] =	ssyncset.done $0x0  }
0x1ae: {  	s28 =	sadd.s32 $0x2D00, s28;
	[sflag:s25] =	ssyncadd.s32 $0xFFFFD800  }
0x1af: {  	[hbm4b:s28+s2] =	stream.linear.scatter [tilespmem:s3], [sflag:$0x1E], $0x2800, $0x38;
	[tilespmem:$0x1BF00] =	vst v63  }
0x1b0: {  	_ =	swait.ge [sflag:s10], $0x2800  }
0x1b1: {  	[sflag:s10] =	ssyncset.done $0x0  }
0x1b2: {  	s29 =	simm.s32 $0x2D50;
	s3 =	simm.s32 $0x5700;
	[sflag:s10] =	ssyncadd.s32 $0xFFFFD800  }
0x1b3: {  	[tilespmem:s3], [sflag:$0xC] =	stream.indirect.gather.add.f32 [spmem:s1], $0x80, s29, s24, $0xb8;
	[tilespmem:$0x1BF00] =	vst v63  }
0x1b4: {  	_ =	swait.ge [sflag:s30], $0x2800  }
0x1b5: {  	[sflag:s30] =	ssyncset.done $0x0  }
0x1b6: {  	s4 =	rddreg [dreg:$0xf];
	[sflag:s30] =	ssyncadd.s32 $0xFFFFD800  }
0x1b7: {  	[hbm4b:s4+s2] =	stream.linear.scatter [tilespmem:s16], [sflag:$0x15], $0x2800, $0x38;
	[tilespmem:$0x1BF00] =	vst v63  }
0x1b8: {  	_ =	swait.ge [sflag:s31], $0x2800  }
0x1b9: {  	[sflag:s31] =	ssyncset.done $0x0  }
0x1ba: {  	s26 =	simm.s32 $0x2DA0;
	s28 =	simm.s32 $0x7F00;
	[sflag:s31] =	ssyncadd.s32 $0xFFFFD800  }
0x1bb: {  	[tilespmem:s28], [sflag:$0xD] =	stream.indirect.gather.add.f32 [spmem:s1], $0x80, s26, s24, $0xb8;
	[tilespmem:$0x1BF00] =	vst v63  }
0x1bc: {  	_ =	swait.ge [sflag:s12], $0x2800  }
0x1bd: {  	[sflag:s12] =	ssyncset.done $0x0  }
0x1be: {  	s29 =	rddreg [dreg:$0x10];
	[sflag:s12] =	ssyncadd.s32 $0xFFFFD800  }
0x1bf: {  	[hbm4b:s29+s2] =	stream.linear.scatter [tilespmem:s3], [sflag:$0x16], $0x2800, $0x38;
	[tilespmem:$0x1BF00] =	vst v63  }
0x1c0: {  	_ =	swait.ge [sflag:s11], $0x2800  }
0x1c1: {  	[sflag:s11] =	ssyncset.done $0x0  }
0x1c2: {  	s30 =	simm.s32 $0x2DF0;
	s31 =	simm.s32 $0xA700;
	[sflag:s11] =	ssyncadd.s32 $0xFFFFD800  }
0x1c3: {  	[tilespmem:s31], [sflag:$0xE] =	stream.indirect.gather.add.f32 [spmem:s1], $0x80, s30, s24, $0xb8;
	[tilespmem:$0x1BF00] =	vst v63  }
0x1c4: {  	_ =	swait.ge [sflag:s9], $0x2800  }
0x1c5: {  	[sflag:s9] =	ssyncset.done $0x0  }
0x1c6: {  	s4 =	rddreg [dreg:$0x11];
	[sflag:s9] =	ssyncadd.s32 $0xFFFFD800  }
0x1c7: {  	[hbm4b:s4+s2] =	stream.linear.scatter [tilespmem:s28], [sflag:$0x17], $0x2800, $0x38;
	[tilespmem:$0x1BF00] =	vst v63  }
0x1c8: {  	_ =	swait.ge [sflag:s7], $0x2800  }
0x1c9: {  	[sflag:s7] =	ssyncset.done $0x0  }
0x1ca: {  	s9 =	simm.s32 $0xCF00;
	[sflag:s7] =	ssyncadd.s32 $0xFFFFD800;
	s7 =	simm.s32 $0x2E40  }
0x1cb: {  	[tilespmem:s9], [sflag:$0xF] =	stream.indirect.gather.add.f32 [spmem:s1], $0x80, s7, s24, $0xb8;
	[tilespmem:$0x1BF00] =	vst v63  }
0x1cc: {  	_ =	swait.ge [sflag:s6], $0x2800  }
0x1cd: {  	[sflag:s6] =	ssyncset.done $0x0  }
0x1ce: {  	s10 =	rddreg [dreg:$0x12];
	[sflag:s6] =	ssyncadd.s32 $0xFFFFD800  }
0x1cf: {  	[hbm4b:s10+s2] =	stream.linear.scatter [tilespmem:s31], [sflag:$0x18], $0x2800, $0x38;
	[tilespmem:$0x1BF00] =	vst v63  }
0x1d0: {  	_ =	swait.ge [sflag:s5], $0x2800  }
0x1d1: {  	[sflag:s5] =	ssyncset.done $0x0  }
0x1d2: {  	s12 =	simm.s32 $0x1A;
	s11 =	rddreg [dreg:$0x13];
	[sflag:s5] =	ssyncadd.s32 $0xFFFFD800  }
0x1d3: {  	[hbm4b:s11+s2] =	stream.linear.scatter [tilespmem:s9], [sflag:$0x19], $0x2800, $0x38;
	[tilespmem:$0x1BF00] =	vst v63  }
0x1d4: {  	_ =	swait.ge [sflag:s12], $0x2800  }
0x1d5: {  	[sflag:s12] =	ssyncset.done $0x0  }
0x1d6: {  	s16 =	simm.s32 $0x1B;
	[sflag:s12] =	ssyncadd.s32 $0xFFFFD800  }
0x1d7: {  	_ =	swait.ge [sflag:s16], $0x2800  }
0x1d8: {  	[sflag:s16] =	ssyncset.done $0x0  }
0x1d9: {  	s26 =	simm.s32 $0x1C;
	[sflag:s16] =	ssyncadd.s32 $0xFFFFD800  }
0x1da: {  	_ =	swait.ge [sflag:s26], $0x2800  }
0x1db: {  	[sflag:s26] =	ssyncset.done $0x0  }
0x1dc: {  	s28 =	simm.s32 $0x1D;
	[sflag:s26] =	ssyncadd.s32 $0xFFFFD800  }
0x1dd: {  	_ =	swait.ge [sflag:s28], $0x2800  }
0x1de: {  	[sflag:s28] =	ssyncset.done $0x0  }
0x1df: {  	s29 =	simm.s32 $0x1E;
	[sflag:s28] =	ssyncadd.s32 $0xFFFFD800  }
0x1e0: {  	_ =	swait.ge [sflag:s29], $0x2800  }
0x1e1: {  	[sflag:s29] =	ssyncset.done $0x0  }
0x1e2: {  	[sflag:s29] =	ssyncadd.s32 $0xFFFFD800  }
0x1e3: {  	_ =	swait.ge [sflag:s8], $0x2800  }
0x1e4: {  	[sflag:s8] =	ssyncset.done $0x0  }
0x1e5: {  	[sflag:s8] =	ssyncadd.s32 $0xFFFFD800  }
0x1e6: {  	_ =	swait.ge [sflag:s13], $0x2800  }
0x1e7: {  	[sflag:s13] =	ssyncset.done $0x0  }
0x1e8: {  	[sflag:s13] =	ssyncadd.s32 $0xFFFFD800  }
0x1e9: {  	_ =	swait.ge [sflag:s17], $0x2800  }
0x1ea: {  	[sflag:s17] =	ssyncset.done $0x0  }
0x1eb: {  	[sflag:s17] =	ssyncadd.s32 $0xFFFFD800  }
0x1ec: {  	_ =	swait.ge [sflag:s20], $0x2800  }
0x1ed: {  	[sflag:s20] =	ssyncset.done $0x0  }
0x1ee: {  	[sflag:s20] =	ssyncadd.s32 $0xFFFFD800  }
0x1ef: {  	_ =	swait.ge [sflag:s23], $0x2800  }
0x1f0: {  	s30 =	rddreg [dreg:$0x15]  }
0x1f1: {  	s31 =	rddreg [dreg:$0x14];
	s3 =	sadd.s32 $0x1, s30  }
0x1f2: {  	p1 =	sne.s32 s3, s31  }
.Ltmp1:
0x1f3: {  	_ = 	snop;
	(pc) =	sbr.rel @p1 .LBB2_1-.Ltmp1, $3  }
0x1f4: {  	_ =	sdelay $0x1  }
0x1f5: {  	[sflag:s23] =	ssyncset.done $0x0  }
0x1f6: {  	[sflag:s23] =	ssyncadd.s32 $0xFFFFD800  }
0x1f7: {  	_ =	sfence.sel $0x180000  }
0x1f8: {  	[bflag:$0x0] =	sbarrier.arrive $0xFFFF  }
0x1f9: {  	_ =	strace $0x90000047  }
0x1fa: {  	[bflag:$0x2] =	sbarrier.arrive $0xFFFF  }
0x1fb: {  	s0 =	rddreg [dreg:$0x5]  }
0x1fc: {  	s0 =	sadd.s32 @!p0 $0x100000, s0  }
0x1fd: {  	[sflag:s0] =	ssyncadd.tile.s32 @!p0 $0x1;
	_ =	shalt  }
.Lfunc_end2:
_tile_overlayer_lowered:
.L_overlay_start_2:
0x1fe: {  	(tag) =	ssettag $0x2  }
0x1ff: {  	s0 =	rddreg [dreg:$0x0];
	s2 =	stileid.u32  }
0x200: {  	s1 =	rddreg [dreg:$0x1];
	p0 =	sne.s32 s2, $0x0  }
0x201: {  	s3 =	rddreg [dreg:$0x2];
	[bflag:$0x3] =	sbarrier.arrive $0xFFFF;
	s2 =	simm.s32 @!p0 $0x1C1F  }
0x202: {  	[timem:s3], [sflag:s2] =	dma.local @!p0 [hbm:s0], s1  }
0x203: {  	s0 =	simm.s32 @!p0 $0x1F  }
0x204: {  	_ =	swait.ge @!p0 [sflag:s0], s1  }
0x205: {  	s1 =	ssub.s32 @!p0 $0x0, s1;
	[sflag:s0] =	ssyncset.done @!p0 $0x0  }
0x206: {  	[sflag:s0] =	ssyncadd.s32 @!p0 s1  }
0x207: {  	[bflag:$0x3] =	sbarrier.arrive $0xFFFF  }
0x208: {  	_ =	shalt  }

</sc_bundles>
